<compile_context>
chip_gen: v7x
topology: tpu7x:2x2x1
jax: 0.10.2.dev20260603
libtpu: 0.0.44.dev20260713+nightly
codegen_flags: <defaults>
</compile_context>

<pallas_src>
import functools

import jax
import jax.numpy as jnp
from jax import lax
from jax.experimental import pallas as pl
from jax.experimental.pallas import tpu as pltpu
from jax.experimental.pallas import tpu_sc as plsc

_POS_W = 2.0
_LANES = 16
_NUM_CORES = 2
_NUM_SUBCORES = 16
_NUNITS = _NUM_CORES * _NUM_SUBCORES
_BLK_R = 8
_BLK_C = 2048
_UNROLL = 8
_SC_ROWS = 48
_TC_BLK_R = 16


def _sc_partials(o2d, t2d):
    rows, cols = o2d.shape
    mesh = plsc.VectorSubcoreMesh(core_axis_name="c", subcore_axis_name="s")

    @functools.partial(
        pl.kernel,
        out_type=jax.ShapeDtypeStruct((_NUNITS, _LANES), jnp.float32),
        mesh=mesh,
        scratch_types=[pltpu.VMEM((_LANES,), jnp.float32)],
    )
    def k(o_hbm, t_hbm, part_hbm, acc_v):
        wid = lax.axis_index("c") * _NUM_SUBCORES + lax.axis_index("s")
        acc_v[...] = jnp.zeros((_LANES,), jnp.float32)

        def body(o_vm, t_vm):
            def it(i, accs):
                r = i // (_BLK_C // (_LANES * _UNROLL))
                cb = (i % (_BLK_C // (_LANES * _UNROLL))) * (_LANES * _UNROLL)
                new = []
                for u in range(_UNROLL):
                    o = o_vm[r, pl.ds(cb + u * _LANES, _LANES)]
                    t = t_vm[r, pl.ds(cb + u * _LANES, _LANES)]
                    new.append(
                        accs[u]
                        + jnp.where(
                            t > 0, -_POS_W * o, jnp.where(t < 0, o, 0.0)
                        )
                    )
                return tuple(new)

            zero = jnp.zeros((_LANES,), jnp.float32)
            n_it = (_BLK_R * _BLK_C) // (_LANES * _UNROLL)
            accs = lax.fori_loop(0, n_it, it, (zero,) * _UNROLL)
            total = accs[0]
            for u in range(1, _UNROLL):
                total = total + accs[u]
            acc_v[...] += total

        ncol = cols // _BLK_C
        pltpu.emit_pipeline(
            body,
            grid=((_SC_ROWS // _BLK_R) * ncol,),
            in_specs=[
                pl.BlockSpec(
                    (_BLK_R, _BLK_C), lambda i: (i // ncol, i % ncol)
                ),
                pl.BlockSpec(
                    (_BLK_R, _BLK_C), lambda i: (i // ncol, i % ncol)
                ),
            ],
            core_axis_name=("c", "s"),
            dimension_semantics=(pltpu.PARALLEL,),
        )(o_hbm, t_hbm)

        pltpu.sync_copy(acc_v, part_hbm.at[wid])

    return k(o2d, t2d)


def _tc_body(out_ref, tgt_ref, acc_ref):
    i = pl.program_id(0)
    o = out_ref[...]
    t = tgt_ref[...]
    w = jnp.where(t > 0, -_POS_W * o, jnp.where(t < 0, o, 0.0))
    p = jnp.sum(w)

    @pl.when(i == 0)
    def _():
        acc_ref[0, 0] = 0.0

    acc_ref[0, 0] += p


def _tc_partial(output, target, row_start):
    rows, cols = output.shape
    n_blocks = (rows - row_start) // _TC_BLK_R
    blk_start = row_start // _TC_BLK_R
    res = pl.pallas_call(
        _tc_body,
        grid=(n_blocks,),
        in_specs=[
            pl.BlockSpec((_TC_BLK_R, cols), lambda i: (i + blk_start, 0)),
            pl.BlockSpec((_TC_BLK_R, cols), lambda i: (i + blk_start, 0)),
        ],
        out_specs=pl.BlockSpec(
            (1, 1), lambda i: (0, 0), memory_space=pltpu.SMEM
        ),
        out_shape=jax.ShapeDtypeStruct((1, 1), jnp.float32),
    )(output, target)
    return res[0, 0]


def kernel(output, target):
    parts = _sc_partials(output, target)
    tc = _tc_partial(output, target, _SC_ROWS)
    return tc + jnp.sum(parts)

# --- scband reference (transcript-rebuilt; emitter-appended) ---
"""Pipeline reference for scband-hinge-loss-75265006895572 (READ-ONLY COPY).

The authoritative reference and input builder live on the scoring server;
editing this copy changes nothing except your own understanding.
"""

import jax, jax.numpy as jnp
import numpy as np

POS_WEIGHT = 2.0  # cfg.getint('loss', 'pos_weight') stand-in


def setup_inputs(seed: int = 0) -> dict:
    key = jax.random.key(seed)
    k1, k2 = jax.random.split(key)
    output = jax.random.normal(k1, (128, 32768), dtype=jnp.float32)
    target = jax.random.normal(k2, (128, 32768), dtype=jnp.float32)
    return {"output": output, "target": target}


def reference(output, target):
    out = output.reshape(-1)
    tgt = target.reshape(-1)
    # torch: output[target > 0].sum() and output[target < 0].sum()
    pos_sum = jnp.sum(jnp.where(tgt > 0, out, 0.0))
    neg_sum = jnp.sum(jnp.where(tgt < 0, out, 0.0))
    return -POS_WEIGHT * pos_sum + neg_sum

if __name__ == "__main__":
    import jax
    _d = setup_inputs()
    print(jax.jit(kernel)(*tuple(_d.values())))

</pallas_src>

<mosaic_0001>
#map = affine_map<(d0, d1) -> (0, 0)>
module attributes {stable_mosaic.version = 14 : i64} {
  func.func @k(%arg0: i32, %arg1: i32, %arg2: memref<128x32768xf32, #tpu.memory_space<hbm>>, %arg3: memref<128x32768xf32, #tpu.memory_space<hbm>>, %arg4: memref<32x16xf32, #tpu.memory_space<hbm>>, %arg5: memref<16xf32, #tpu.memory_space<vmem>>) attributes {dimension_semantics = [#tpu.dimension_semantics<core_parallel>, #tpu.dimension_semantics<subcore_parallel>], iteration_bounds = array<i64: 2, 16>, scalar_prefetch = 0 : i64, scratch_operands = 1 : i64, tpu.core_type = #tpu.core_type<sc_vector_subcore>, window_params = [{transform_indices = #map}, {transform_indices = #map}, {transform_indices = #map}]} {
    %mul3A = arith.constant 16 : i32
    %mul3A_0 = arith.muli %arg0, %mul3A : i32
    %add3A = arith.addi %mul3A_0, %arg1 : i32
    %broadcast_in_dim3A = arith.constant 0.000000e+00 : f32
    %broadcast_in_dim3A_1 = vector.broadcast %broadcast_in_dim3A : f32 to vector<16xf32>
    %swap3A = arith.constant 0 : index
    %swap3A_2 = tpu.vector_load %arg5[%swap3A] {strides = array<i32>} : memref<16xf32, #tpu.memory_space<vmem>>, vector<16xf32>,
    %swap3A_3 = vector.shape_cast %swap3A_2 : vector<16xf32> to vector<16xf32>
    %swap3A_4 = vector.shape_cast %broadcast_in_dim3A_1 : vector<16xf32> to vector<16xf32>
    tpu.vector_store %arg5[%swap3A], %swap3A_4 {strides = array<i32>} : memref<16xf32, #tpu.memory_space<vmem>>, vector<16xf32>,
    %mul3A_5 = arith.constant 1 : i32
    %mul3A_6 = arith.muli %arg1, %mul3A_5 : i32
    %add3A_7 = arith.constant 0 : i32
    %add3A_8 = arith.addi %add3A_7, %mul3A_6 : i32
    %mul3A_9 = arith.constant 16 : i32
    %mul3A_10 = arith.muli %arg0, %mul3A_9 : i32
    %add3A_11 = arith.addi %add3A_8, %mul3A_10 : i32
    %mul3A_12 = arith.constant 3 : i32
    %mul3A_13 = arith.muli %add3A_11, %mul3A_12 : i32
    "tpu.region"() ({
      %run_scoped3A = memref.alloca() : memref<2x8x2048xf32, #tpu.memory_space<vmem>>
      %run_scoped3A_14 = tpu.sem_alloc : memref<2x!tpu.dma_semaphore, #tpu.memory_space<semaphore_mem>>
      %run_scoped3A_15 = memref.alloca() : memref<2x8x2048xf32, #tpu.memory_space<vmem>>
      %run_scoped3A_16 = tpu.sem_alloc : memref<2x!tpu.dma_semaphore, #tpu.memory_space<semaphore_mem>>
      %add3A_17 = arith.constant 0 : i32
      %add3A_18 = arith.addi %add3A_17, %mul3A_13 : i32
      %select_n3A = arith.constant true
      %select_n3A_19 = arith.constant 0 : i32
      %select_n3A_20 = arith.constant -1 : i32
      %select_n3A_21 = arith.select %select_n3A, %select_n3A_20, %select_n3A_19 : i32
      %eq3A = arith.constant -1 : i32
      %eq3A_22 = arith.cmpi eq, %select_n3A_21, %eq3A : i32
      %select_n3A_23 = arith.constant 2 : i32
      %select_n3A_24 = arith.select %eq3A_22, %select_n3A_23, %select_n3A_21 : i32
      %add3A_25 = arith.addi %select_n3A_24, %mul3A_13 : i32
      %select_n3A_26 = arith.constant true
      %select_n3A_27 = arith.constant 0 : i32
      %select_n3A_28 = arith.constant 1 : i32
      %select_n3A_29 = arith.select %select_n3A_26, %select_n3A_28, %select_n3A_27 : i32
      %eq3A_30 = arith.constant 3 : i32
      %eq3A_31 = arith.cmpi eq, %select_n3A_29, %eq3A_30 : i32
      %select_n3A_32 = arith.constant 0 : i32
      %select_n3A_33 = arith.select %eq3A_31, %select_n3A_32, %select_n3A_29 : i32
      %add3A_34 = arith.addi %select_n3A_33, %mul3A_13 : i32
      %add3A_35 = arith.constant 1 : i32
      %add3A_36 = arith.addi %select_n3A_33, %add3A_35 : i32
      %select_n3A_37 = arith.constant true
      %select_n3A_38 = arith.select %select_n3A_37, %add3A_36, %select_n3A_33 : i32
      %eq3A_39 = arith.constant 3 : i32
      %eq3A_40 = arith.cmpi eq, %select_n3A_38, %eq3A_39 : i32
      %select_n3A_41 = arith.constant 0 : i32
      %select_n3A_42 = arith.select %eq3A_40, %select_n3A_41, %select_n3A_38 : i32
      %add3A_43 = arith.addi %select_n3A_42, %mul3A_13 : i32
      "tpu.trace_start"() <{level = 10 : i32, message = "ep_initialize_0"}> : () -> ()
      %rem3A = arith.constant 0 : i32
      %rem3A_44 = arith.constant 2 : i32
      %rem3A_45 = arith.remui %rem3A, %rem3A_44 : i32
      %jit3A = arith.constant 16 : i32
      %div3A = arith.divsi %add3A_18, %jit3A : i32
      %sign3A = arith.constant 0 : i32
      %sign3A_46 = arith.cmpi sgt, %add3A_18, %sign3A : i32
      %sign3A_47 = arith.extui %sign3A_46 : i1 to i32
      %sign3A_48 = arith.constant 0 : i32
      %sign3A_49 = arith.cmpi slt, %add3A_18, %sign3A_48 : i32
      %sign3A_50 = arith.extui %sign3A_49 : i1 to i32
      %sign3A_51 = arith.subi %sign3A_47, %sign3A_50 : i32
      %sign3A_52 = arith.constant 0 : i32
      %sign3A_53 = arith.cmpi sgt, %jit3A, %sign3A_52 : i32
      %sign3A_54 = arith.extui %sign3A_53 : i1 to i32
      %sign3A_55 = arith.constant 0 : i32
      %sign3A_56 = arith.cmpi slt, %jit3A, %sign3A_55 : i32
      %sign3A_57 = arith.extui %sign3A_56 : i1 to i32
      %sign3A_58 = arith.subi %sign3A_54, %sign3A_57 : i32
      %ne3A = arith.cmpi ne, %sign3A_51, %sign3A_58 : i32
      %rem3A_59 = arith.remsi %add3A_18, %jit3A : i32
      %ne3A_60 = arith.constant 0 : i32
      %ne3A_61 = arith.cmpi ne, %rem3A_59, %ne3A_60 : i32
      %and3A = arith.andi %ne3A, %ne3A_61 : i1
      %sub3A = arith.constant 1 : i32
      %sub3A_62 = arith.subi %div3A, %sub3A : i32
      %select_n3A_63 = arith.select %and3A, %sub3A_62, %div3A : i32
      %jit3A_64 = arith.constant 16 : i32
      %eq3A_65 = arith.constant 0 : i32
      %eq3A_66 = arith.cmpi eq, %jit3A_64, %eq3A_65 : i32
      %jit3A_67 = arith.constant 1 : i32
      %select_n3A_68 = arith.select %eq3A_66, %jit3A_67, %jit3A_64 : i32
      %rem3A_69 = arith.remsi %add3A_18, %select_n3A_68 : i32
      %ne3A_70 = arith.constant 0 : i32
      %ne3A_71 = arith.cmpi ne, %rem3A_69, %ne3A_70 : i32
      %lt3A = arith.constant 0 : i32
      %lt3A_72 = arith.cmpi slt, %rem3A_69, %lt3A : i32
      %lt3A_73 = arith.constant 0 : i32
      %lt3A_74 = arith.cmpi slt, %select_n3A_68, %lt3A_73 : i32
      %ne3A_75 = arith.xori %lt3A_72, %lt3A_74 : i1
      %and3A_76 = arith.andi %ne3A_75, %ne3A_71 : i1
      %add3A_77 = arith.addi %rem3A_69, %select_n3A_68 : i32
      %select_n3A_78 = arith.select %and3A_76, %add3A_77, %rem3A_69 : i32
      %mul3A_79 = arith.constant 8 : i32
      %mul3A_80 = arith.muli %mul3A_79, %select_n3A_63 : i32
      %mul3A_81 = arith.constant 2048 : i32
      %mul3A_82 = arith.muli %mul3A_81, %select_n3A_78 : i32
      %dma_start3A = arith.constant 0 : i32
      %dma_start3A_83 = arith.constant 0 : i32
      %dma_start3A_84 = tpu.memref_slice %run_scoped3A[%rem3A_45, %dma_start3A, %dma_start3A_83] : memref<2x8x2048xf32, #tpu.memory_space<vmem>> -> memref<1x8x2048xf32, #tpu.memory_space<vmem>>
      %dma_start3A_85 = tpu.memref_squeeze %dma_start3A_84 : memref<1x8x2048xf32, #tpu.memory_space<vmem>> -> memref<8x2048xf32, #tpu.memory_space<vmem>>
      %dma_start3A_86 = tpu.memref_slice %arg2[%mul3A_80, %mul3A_82] : memref<128x32768xf32, #tpu.memory_space<hbm>> -> memref<8x2048xf32, #tpu.memory_space<hbm>>
      %dma_start3A_87 = tpu.memref_slice %run_scoped3A_14[%rem3A_45] : memref<2x!tpu.dma_semaphore, #tpu.memory_space<semaphore_mem>> -> memref<1x!tpu.dma_semaphore, #tpu.memory_space<semaphore_mem>>
      %dma_start3A_88 = tpu.memref_squeeze %dma_start3A_87 : memref<1x!tpu.dma_semaphore, #tpu.memory_space<semaphore_mem>> -> memref<!tpu.dma_semaphore, #tpu.memory_space<semaphore_mem>>
      %dma_start3A_89 = arith.constant 0 : i32
      %dma_start3A_90 = arith.constant 0 : i32
      %dma_start3A_91 = tpu.memref_slice %run_scoped3A[%rem3A_45, %dma_start3A_89, %dma_start3A_90] : memref<2x8x2048xf32, #tpu.memory_space<vmem>> -> memref<1x8x2048xf32, #tpu.memory_space<vmem>>
      %dma_start3A_92 = tpu.memref_squeeze %dma_start3A_91 : memref<1x8x2048xf32, #tpu.memory_space<vmem>> -> memref<8x2048xf32, #tpu.memory_space<vmem>>
      %dma_start3A_93 = tpu.memref_slice %arg2[%mul3A_80, %mul3A_82] : memref<128x32768xf32, #tpu.memory_space<hbm>> -> memref<8x2048xf32, #tpu.memory_space<hbm>>
      tpu.enqueue_dma source(%dma_start3A_93 : memref<8x2048xf32, #tpu.memory_space<hbm>>) target(%dma_start3A_92 : memref<8x2048xf32, #tpu.memory_space<vmem>>) target_semaphore(%dma_start3A_88 : memref<!tpu.dma_semaphore, #tpu.memory_space<semaphore_mem>>)
      %add3A_94 = arith.constant 0 : i32
      %add3A_95 = arith.constant 1 : i32
      %add3A_96 = arith.addi %add3A_94, %add3A_95 : i32
      %select_n3A_97 = arith.constant true
      %select_n3A_98 = arith.constant 0 : i32
      %select_n3A_99 = arith.select %select_n3A_97, %add3A_96, %select_n3A_98 : i32
      %rem3A_100 = arith.constant 0 : i32
      %rem3A_101 = arith.constant 2 : i32
      %rem3A_102 = arith.remui %rem3A_100, %rem3A_101 : i32
      %jit3A_103 = arith.constant 16 : i32
      %div3A_104 = arith.divsi %add3A_18, %jit3A_103 : i32
      %sign3A_105 = arith.constant 0 : i32
      %sign3A_106 = arith.cmpi sgt, %add3A_18, %sign3A_105 : i32
      %sign3A_107 = arith.extui %sign3A_106 : i1 to i32
      %sign3A_108 = arith.constant 0 : i32
      %sign3A_109 = arith.cmpi slt, %add3A_18, %sign3A_108 : i32
      %sign3A_110 = arith.extui %sign3A_109 : i1 to i32
      %sign3A_111 = arith.subi %sign3A_107, %sign3A_110 : i32
      %sign3A_112 = arith.constant 0 : i32
      %sign3A_113 = arith.cmpi sgt, %jit3A_103, %sign3A_112 : i32
      %sign3A_114 = arith.extui %sign3A_113 : i1 to i32
      %sign3A_115 = arith.constant 0 : i32
      %sign3A_116 = arith.cmpi slt, %jit3A_103, %sign3A_115 : i32
      %sign3A_117 = arith.extui %sign3A_116 : i1 to i32
      %sign3A_118 = arith.subi %sign3A_114, %sign3A_117 : i32
      %ne3A_119 = arith.cmpi ne, %sign3A_111, %sign3A_118 : i32
      %rem3A_120 = arith.remsi %add3A_18, %jit3A_103 : i32
      %ne3A_121 = arith.constant 0 : i32
      %ne3A_122 = arith.cmpi ne, %rem3A_120, %ne3A_121 : i32
      %and3A_123 = arith.andi %ne3A_119, %ne3A_122 : i1
      %sub3A_124 = arith.constant 1 : i32
      %sub3A_125 = arith.subi %div3A_104, %sub3A_124 : i32
      %select_n3A_126 = arith.select %and3A_123, %sub3A_125, %div3A_104 : i32
      %jit3A_127 = arith.constant 16 : i32
      %eq3A_128 = arith.constant 0 : i32
      %eq3A_129 = arith.cmpi eq, %jit3A_127, %eq3A_128 : i32
      %jit3A_130 = arith.constant 1 : i32
      %select_n3A_131 = arith.select %eq3A_129, %jit3A_130, %jit3A_127 : i32
      %rem3A_132 = arith.remsi %add3A_18, %select_n3A_131 : i32
      %ne3A_133 = arith.constant 0 : i32
      %ne3A_134 = arith.cmpi ne, %rem3A_132, %ne3A_133 : i32
      %lt3A_135 = arith.constant 0 : i32
      %lt3A_136 = arith.cmpi slt, %rem3A_132, %lt3A_135 : i32
      %lt3A_137 = arith.constant 0 : i32
      %lt3A_138 = arith.cmpi slt, %select_n3A_131, %lt3A_137 : i32
      %ne3A_139 = arith.xori %lt3A_136, %lt3A_138 : i1
      %and3A_140 = arith.andi %ne3A_139, %ne3A_134 : i1
      %add3A_141 = arith.addi %rem3A_132, %select_n3A_131 : i32
      %select_n3A_142 = arith.select %and3A_140, %add3A_141, %rem3A_132 : i32
      %mul3A_143 = arith.constant 8 : i32
      %mul3A_144 = arith.muli %mul3A_143, %select_n3A_126 : i32
      %mul3A_145 = arith.constant 2048 : i32
      %mul3A_146 = arith.muli %mul3A_145, %select_n3A_142 : i32
      %dma_start3A_147 = arith.constant 0 : i32
      %dma_start3A_148 = arith.constant 0 : i32
      %dma_start3A_149 = tpu.memref_slice %run_scoped3A_15[%rem3A_102, %dma_start3A_147, %dma_start3A_148] : memref<2x8x2048xf32, #tpu.memory_space<vmem>> -> memref<1x8x2048xf32, #tpu.memory_space<vmem>>
      %dma_start3A_150 = tpu.memref_squeeze %dma_start3A_149 : memref<1x8x2048xf32, #tpu.memory_space<vmem>> -> memref<8x2048xf32, #tpu.memory_space<vmem>>
      %dma_start3A_151 = tpu.memref_slice %arg3[%mul3A_144, %mul3A_146] : memref<128x32768xf32, #tpu.memory_space<hbm>> -> memref<8x2048xf32, #tpu.memory_space<hbm>>
      %dma_start3A_152 = tpu.memref_slice %run_scoped3A_16[%rem3A_102] : memref<2x!tpu.dma_semaphore, #tpu.memory_space<semaphore_mem>> -> memref<1x!tpu.dma_semaphore, #tpu.memory_space<semaphore_mem>>
      %dma_start3A_153 = tpu.memref_squeeze %dma_start3A_152 : memref<1x!tpu.dma_semaphore, #tpu.memory_space<semaphore_mem>> -> memref<!tpu.dma_semaphore, #tpu.memory_space<semaphore_mem>>
      %dma_start3A_154 = arith.constant 0 : i32
      %dma_start3A_155 = arith.constant 0 : i32
      %dma_start3A_156 = tpu.memref_slice %run_scoped3A_15[%rem3A_102, %dma_start3A_154, %dma_start3A_155] : memref<2x8x2048xf32, #tpu.memory_space<vmem>> -> memref<1x8x2048xf32, #tpu.memory_space<vmem>>
      %dma_start3A_157 = tpu.memref_squeeze %dma_start3A_156 : memref<1x8x2048xf32, #tpu.memory_space<vmem>> -> memref<8x2048xf32, #tpu.memory_space<vmem>>
      %dma_start3A_158 = tpu.memref_slice %arg3[%mul3A_144, %mul3A_146] : memref<128x32768xf32, #tpu.memory_space<hbm>> -> memref<8x2048xf32, #tpu.memory_space<hbm>>
      tpu.enqueue_dma source(%dma_start3A_158 : memref<8x2048xf32, #tpu.memory_space<hbm>>) target(%dma_start3A_157 : memref<8x2048xf32, #tpu.memory_space<vmem>>) target_semaphore(%dma_start3A_153 : memref<!tpu.dma_semaphore, #tpu.memory_space<semaphore_mem>>)
      %add3A_159 = arith.constant 0 : i32
      %add3A_160 = arith.constant 1 : i32
      %add3A_161 = arith.addi %add3A_159, %add3A_160 : i32
      %select_n3A_162 = arith.constant true
      %select_n3A_163 = arith.constant 0 : i32
      %select_n3A_164 = arith.select %select_n3A_162, %add3A_161, %select_n3A_163 : i32
      "tpu.trace_stop"() : () -> ()
      %scan3A = arith.constant 0 : i32
      %scan3A_165 = arith.constant 0 : i32
      %scan3A_166 = arith.constant 0 : i32
      %scan3A_167 = arith.constant 0 : i32
      %scan3A_168 = arith.constant 3 : i32
      %scan3A_169 = arith.addi %scan3A_167, %scan3A_168 : i32
      %scan3A_170 = arith.constant 1 : i32
      %scan3A_171:5 = scf.for %scan3A_209 = %scan3A_167 to %scan3A_169 step %scan3A_170 iter_args(%scan3A_210 = %select_n3A_99, %scan3A_211 = %scan3A, %scan3A_212 = %select_n3A_164, %scan3A_213 = %scan3A_165, %scan3A_214 = %scan3A_166) -> (i32, i32, i32, i32, i32)  : i32 {
        %eq3A_215 = arith.constant 0 : i32
        %eq3A_216 = arith.cmpi eq, %scan3A_209, %eq3A_215 : i32
        %eq3A_217 = arith.constant 2 : i32
        %eq3A_218 = arith.cmpi eq, %scan3A_209, %eq3A_217 : i32
        %add3A_219 = arith.addi %scan3A_214, %mul3A_13 : i32
        %sub3A_220 = arith.constant 1 : i32
        %sub3A_221 = arith.subi %scan3A_214, %sub3A_220 : i32
        %select_n3A_222 = arith.constant true
        %select_n3A_223 = arith.select %select_n3A_222, %sub3A_221, %scan3A_214 : i32
        %eq3A_224 = arith.constant -1 : i32
        %eq3A_225 = arith.cmpi eq, %select_n3A_223, %eq3A_224 : i32
        %select_n3A_226 = arith.constant 2 : i32
        %select_n3A_227 = arith.select %eq3A_225, %select_n3A_226, %select_n3A_223 : i32
        %add3A_228 = arith.addi %select_n3A_227, %mul3A_13 : i32
        %add3A_229 = arith.constant 1 : i32
        %add3A_230 = arith.addi %scan3A_214, %add3A_229 : i32
        %select_n3A_231 = arith.constant true
        %select_n3A_232 = arith.select %select_n3A_231, %add3A_230, %scan3A_214 : i32
        %eq3A_233 = arith.constant 3 : i32
        %eq3A_234 = arith.cmpi eq, %select_n3A_232, %eq3A_233 : i32
        %select_n3A_235 = arith.constant 0 : i32
        %select_n3A_236 = arith.select %eq3A_234, %select_n3A_235, %select_n3A_232 : i32
        %add3A_237 = arith.addi %select_n3A_236, %mul3A_13 : i32
        %add3A_238 = arith.constant 1 : i32
        %add3A_239 = arith.addi %select_n3A_236, %add3A_238 : i32
        %select_n3A_240 = arith.constant true
        %select_n3A_241 = arith.select %select_n3A_240, %add3A_239, %select_n3A_236 : i32
        %eq3A_242 = arith.constant 3 : i32
        %eq3A_243 = arith.cmpi eq, %select_n3A_241, %eq3A_242 : i32
        %select_n3A_244 = arith.constant 0 : i32
        %select_n3A_245 = arith.select %eq3A_243, %select_n3A_244, %select_n3A_241 : i32
        %add3A_246 = arith.addi %select_n3A_245, %mul3A_13 : i32
        %jit3A_247 = arith.constant 16 : i32
        %div3A_248 = arith.divsi %add3A_219, %jit3A_247 : i32
        %sign3A_249 = arith.constant 0 : i32
        %sign3A_250 = arith.cmpi sgt, %add3A_219, %sign3A_249 : i32
        %sign3A_251 = arith.extui %sign3A_250 : i1 to i32
        %sign3A_252 = arith.constant 0 : i32
        %sign3A_253 = arith.cmpi slt, %add3A_219, %sign3A_252 : i32
        %sign3A_254 = arith.extui %sign3A_253 : i1 to i32
        %sign3A_255 = arith.subi %sign3A_251, %sign3A_254 : i32
        %sign3A_256 = arith.constant 0 : i32
        %sign3A_257 = arith.cmpi sgt, %jit3A_247, %sign3A_256 : i32
        %sign3A_258 = arith.extui %sign3A_257 : i1 to i32
        %sign3A_259 = arith.constant 0 : i32
        %sign3A_260 = arith.cmpi slt, %jit3A_247, %sign3A_259 : i32
        %sign3A_261 = arith.extui %sign3A_260 : i1 to i32
        %sign3A_262 = arith.subi %sign3A_258, %sign3A_261 : i32
        %ne3A_263 = arith.cmpi ne, %sign3A_255, %sign3A_262 : i32
        %rem3A_264 = arith.remsi %add3A_219, %jit3A_247 : i32
        %ne3A_265 = arith.constant 0 : i32
        %ne3A_266 = arith.cmpi ne, %rem3A_264, %ne3A_265 : i32
        %and3A_267 = arith.andi %ne3A_263, %ne3A_266 : i1
        %sub3A_268 = arith.constant 1 : i32
        %sub3A_269 = arith.subi %div3A_248, %sub3A_268 : i32
        %select_n3A_270 = arith.select %and3A_267, %sub3A_269, %div3A_248 : i32
        %jit3A_271 = arith.constant 16 : i32
        %eq3A_272 = arith.constant 0 : i32
        %eq3A_273 = arith.cmpi eq, %jit3A_271, %eq3A_272 : i32
        %jit3A_274 = arith.constant 1 : i32
        %select_n3A_275 = arith.select %eq3A_273, %jit3A_274, %jit3A_271 : i32
        %rem3A_276 = arith.remsi %add3A_219, %select_n3A_275 : i32
        %ne3A_277 = arith.constant 0 : i32
        %ne3A_278 = arith.cmpi ne, %rem3A_276, %ne3A_277 : i32
        %lt3A_279 = arith.constant 0 : i32
        %lt3A_280 = arith.cmpi slt, %rem3A_276, %lt3A_279 : i32
        %lt3A_281 = arith.constant 0 : i32
        %lt3A_282 = arith.cmpi slt, %select_n3A_275, %lt3A_281 : i32
        %ne3A_283 = arith.xori %lt3A_280, %lt3A_282 : i1
        %and3A_284 = arith.andi %ne3A_283, %ne3A_278 : i1
        %add3A_285 = arith.addi %rem3A_276, %select_n3A_275 : i32
        %select_n3A_286 = arith.select %and3A_284, %add3A_285, %rem3A_276 : i32
        %jit3A_287 = arith.constant 16 : i32
        %div3A_288 = arith.divsi %add3A_237, %jit3A_287 : i32
        %sign3A_289 = arith.constant 0 : i32
        %sign3A_290 = arith.cmpi sgt, %add3A_237, %sign3A_289 : i32
        %sign3A_291 = arith.extui %sign3A_290 : i1 to i32
        %sign3A_292 = arith.constant 0 : i32
        %sign3A_293 = arith.cmpi slt, %add3A_237, %sign3A_292 : i32
        %sign3A_294 = arith.extui %sign3A_293 : i1 to i32
        %sign3A_295 = arith.subi %sign3A_291, %sign3A_294 : i32
        %sign3A_296 = arith.constant 0 : i32
        %sign3A_297 = arith.cmpi sgt, %jit3A_287, %sign3A_296 : i32
        %sign3A_298 = arith.extui %sign3A_297 : i1 to i32
        %sign3A_299 = arith.constant 0 : i32
        %sign3A_300 = arith.cmpi slt, %jit3A_287, %sign3A_299 : i32
        %sign3A_301 = arith.extui %sign3A_300 : i1 to i32
        %sign3A_302 = arith.subi %sign3A_298, %sign3A_301 : i32
        %ne3A_303 = arith.cmpi ne, %sign3A_295, %sign3A_302 : i32
        %rem3A_304 = arith.remsi %add3A_237, %jit3A_287 : i32
        %ne3A_305 = arith.constant 0 : i32
        %ne3A_306 = arith.cmpi ne, %rem3A_304, %ne3A_305 : i32
        %and3A_307 = arith.andi %ne3A_303, %ne3A_306 : i1
        %sub3A_308 = arith.constant 1 : i32
        %sub3A_309 = arith.subi %div3A_288, %sub3A_308 : i32
        %select_n3A_310 = arith.select %and3A_307, %sub3A_309, %div3A_288 : i32
        %jit3A_311 = arith.constant 16 : i32
        %eq3A_312 = arith.constant 0 : i32
        %eq3A_313 = arith.cmpi eq, %jit3A_311, %eq3A_312 : i32
        %jit3A_314 = arith.constant 1 : i32
        %select_n3A_315 = arith.select %eq3A_313, %jit3A_314, %jit3A_311 : i32
        %rem3A_316 = arith.remsi %add3A_237, %select_n3A_315 : i32
        %ne3A_317 = arith.constant 0 : i32
        %ne3A_318 = arith.cmpi ne, %rem3A_316, %ne3A_317 : i32
        %lt3A_319 = arith.constant 0 : i32
        %lt3A_320 = arith.cmpi slt, %rem3A_316, %lt3A_319 : i32
        %lt3A_321 = arith.constant 0 : i32
        %lt3A_322 = arith.cmpi slt, %select_n3A_315, %lt3A_321 : i32
        %ne3A_323 = arith.xori %lt3A_320, %lt3A_322 : i1
        %and3A_324 = arith.andi %ne3A_323, %ne3A_318 : i1
        %add3A_325 = arith.addi %rem3A_316, %select_n3A_315 : i32
        %select_n3A_326 = arith.select %and3A_324, %add3A_325, %rem3A_316 : i32
        %ne3A_327 = arith.cmpi ne, %select_n3A_270, %select_n3A_310 : i32
        %ne3A_328 = arith.cmpi ne, %select_n3A_286, %select_n3A_326 : i32
        %or3A = arith.constant false
        %or3A_329 = arith.ori %or3A, %ne3A_327 : i1
        %or3A_330 = arith.ori %or3A_329, %ne3A_328 : i1
        %ge3A = arith.constant 2 : i32
        %ge3A_331 = arith.cmpi sge, %scan3A_209, %ge3A : i32
        %not3A = arith.constant true
        %not3A_332 = arith.xori %ge3A_331, %not3A : i1
        %and3A_333 = arith.andi %or3A_330, %not3A_332 : i1
        %convert_element_type3A = arith.extui %and3A_333 : i1 to i32
        %cond3A = arith.constant 0 : i32
        %cond3A_334 = arith.cmpi ne, %convert_element_type3A, %cond3A : i32
        scf.if %cond3A_334 {
          "tpu.trace_start"() <{level = 10 : i32, message = "ep_copy_in"}> : () -> ()
          %rem3A_1196 = arith.constant 2 : i32
          %rem3A_1197 = arith.remui %scan3A_210, %rem3A_1196 : i32
          %jit3A_1198 = arith.constant 16 : i32
          %div3A_1199 = arith.divsi %add3A_237, %jit3A_1198 : i32
          %sign3A_1200 = arith.constant 0 : i32
          %sign3A_1201 = arith.cmpi sgt, %add3A_237, %sign3A_1200 : i32
          %sign3A_1202 = arith.extui %sign3A_1201 : i1 to i32
          %sign3A_1203 = arith.constant 0 : i32
          %sign3A_1204 = arith.cmpi slt, %add3A_237, %sign3A_1203 : i32
          %sign3A_1205 = arith.extui %sign3A_1204 : i1 to i32
          %sign3A_1206 = arith.subi %sign3A_1202, %sign3A_1205 : i32
          %sign3A_1207 = arith.constant 0 : i32
          %sign3A_1208 = arith.cmpi sgt, %jit3A_1198, %sign3A_1207 : i32
          %sign3A_1209 = arith.extui %sign3A_1208 : i1 to i32
          %sign3A_1210 = arith.constant 0 : i32
          %sign3A_1211 = arith.cmpi slt, %jit3A_1198, %sign3A_1210 : i32
          %sign3A_1212 = arith.extui %sign3A_1211 : i1 to i32
          %sign3A_1213 = arith.subi %sign3A_1209, %sign3A_1212 : i32
          %ne3A_1214 = arith.cmpi ne, %sign3A_1206, %sign3A_1213 : i32
          %rem3A_1215 = arith.remsi %add3A_237, %jit3A_1198 : i32
          %ne3A_1216 = arith.constant 0 : i32
          %ne3A_1217 = arith.cmpi ne, %rem3A_1215, %ne3A_1216 : i32
          %and3A_1218 = arith.andi %ne3A_1214, %ne3A_1217 : i1
          %sub3A_1219 = arith.constant 1 : i32
          %sub3A_1220 = arith.subi %div3A_1199, %sub3A_1219 : i32
          %select_n3A_1221 = arith.select %and3A_1218, %sub3A_1220, %div3A_1199 : i32
          %jit3A_1222 = arith.constant 16 : i32
          %eq3A_1223 = arith.constant 0 : i32
          %eq3A_1224 = arith.cmpi eq, %jit3A_1222, %eq3A_1223 : i32
          %jit3A_1225 = arith.constant 1 : i32
          %select_n3A_1226 = arith.select %eq3A_1224, %jit3A_1225, %jit3A_1222 : i32
          %rem3A_1227 = arith.remsi %add3A_237, %select_n3A_1226 : i32
          %ne3A_1228 = arith.constant 0 : i32
          %ne3A_1229 = arith.cmpi ne, %rem3A_1227, %ne3A_1228 : i32
          %lt3A_1230 = arith.constant 0 : i32
          %lt3A_1231 = arith.cmpi slt, %rem3A_1227, %lt3A_1230 : i32
          %lt3A_1232 = arith.constant 0 : i32
          %lt3A_1233 = arith.cmpi slt, %select_n3A_1226, %lt3A_1232 : i32
          %ne3A_1234 = arith.xori %lt3A_1231, %lt3A_1233 : i1
          %and3A_1235 = arith.andi %ne3A_1234, %ne3A_1229 : i1
          %add3A_1236 = arith.addi %rem3A_1227, %select_n3A_1226 : i32
          %select_n3A_1237 = arith.select %and3A_1235, %add3A_1236, %rem3A_1227 : i32
          %mul3A_1238 = arith.constant 8 : i32
          %mul3A_1239 = arith.muli %mul3A_1238, %select_n3A_1221 : i32
          %mul3A_1240 = arith.constant 2048 : i32
          %mul3A_1241 = arith.muli %mul3A_1240, %select_n3A_1237 : i32
          %dma_start3A_1242 = arith.constant 0 : i32
          %dma_start3A_1243 = arith.constant 0 : i32
          %dma_start3A_1244 = tpu.memref_slice %run_scoped3A[%rem3A_1197, %dma_start3A_1242, %dma_start3A_1243] : memref<2x8x2048xf32, #tpu.memory_space<vmem>> -> memref<1x8x2048xf32, #tpu.memory_space<vmem>>
          %dma_start3A_1245 = tpu.memref_squeeze %dma_start3A_1244 : memref<1x8x2048xf32, #tpu.memory_space<vmem>> -> memref<8x2048xf32, #tpu.memory_space<vmem>>
          %dma_start3A_1246 = tpu.memref_slice %arg2[%mul3A_1239, %mul3A_1241] : memref<128x32768xf32, #tpu.memory_space<hbm>> -> memref<8x2048xf32, #tpu.memory_space<hbm>>
          %dma_start3A_1247 = tpu.memref_slice %run_scoped3A_14[%rem3A_1197] : memref<2x!tpu.dma_semaphore, #tpu.memory_space<semaphore_mem>> -> memref<1x!tpu.dma_semaphore, #tpu.memory_space<semaphore_mem>>
          %dma_start3A_1248 = tpu.memref_squeeze %dma_start3A_1247 : memref<1x!tpu.dma_semaphore, #tpu.memory_space<semaphore_mem>> -> memref<!tpu.dma_semaphore, #tpu.memory_space<semaphore_mem>>
          %dma_start3A_1249 = arith.constant 0 : i32
          %dma_start3A_1250 = arith.constant 0 : i32
          %dma_start3A_1251 = tpu.memref_slice %run_scoped3A[%rem3A_1197, %dma_start3A_1249, %dma_start3A_1250] : memref<2x8x2048xf32, #tpu.memory_space<vmem>> -> memref<1x8x2048xf32, #tpu.memory_space<vmem>>
          %dma_start3A_1252 = tpu.memref_squeeze %dma_start3A_1251 : memref<1x8x2048xf32, #tpu.memory_space<vmem>> -> memref<8x2048xf32, #tpu.memory_space<vmem>>
          %dma_start3A_1253 = tpu.memref_slice %arg2[%mul3A_1239, %mul3A_1241] : memref<128x32768xf32, #tpu.memory_space<hbm>> -> memref<8x2048xf32, #tpu.memory_space<hbm>>
          tpu.enqueue_dma source(%dma_start3A_1253 : memref<8x2048xf32, #tpu.memory_space<hbm>>) target(%dma_start3A_1252 : memref<8x2048xf32, #tpu.memory_space<vmem>>) target_semaphore(%dma_start3A_1248 : memref<!tpu.dma_semaphore, #tpu.memory_space<semaphore_mem>>)
          "tpu.trace_stop"() : () -> ()
        } else {
        }
        %and3A_335 = arith.constant true
        %and3A_336 = arith.andi %and3A_333, %and3A_335 : i1
        %add3A_337 = arith.constant 1 : i32
        %add3A_338 = arith.addi %scan3A_210, %add3A_337 : i32
        %select_n3A_339 = arith.select %and3A_336, %add3A_338, %scan3A_210 : i32
        %jit3A_340 = arith.constant 16 : i32
        %div3A_341 = arith.divsi %add3A_219, %jit3A_340 : i32
        %sign3A_342 = arith.constant 0 : i32
        %sign3A_343 = arith.cmpi sgt, %add3A_219, %sign3A_342 : i32
        %sign3A_344 = arith.extui %sign3A_343 : i1 to i32
        %sign3A_345 = arith.constant 0 : i32
        %sign3A_346 = arith.cmpi slt, %add3A_219, %sign3A_345 : i32
        %sign3A_347 = arith.extui %sign3A_346 : i1 to i32
        %sign3A_348 = arith.subi %sign3A_344, %sign3A_347 : i32
        %sign3A_349 = arith.constant 0 : i32
        %sign3A_350 = arith.cmpi sgt, %jit3A_340, %sign3A_349 : i32
        %sign3A_351 = arith.extui %sign3A_350 : i1 to i32
        %sign3A_352 = arith.constant 0 : i32
        %sign3A_353 = arith.cmpi slt, %jit3A_340, %sign3A_352 : i32
        %sign3A_354 = arith.extui %sign3A_353 : i1 to i32
        %sign3A_355 = arith.subi %sign3A_351, %sign3A_354 : i32
        %ne3A_356 = arith.cmpi ne, %sign3A_348, %sign3A_355 : i32
        %rem3A_357 = arith.remsi %add3A_219, %jit3A_340 : i32
        %ne3A_358 = arith.constant 0 : i32
        %ne3A_359 = arith.cmpi ne, %rem3A_357, %ne3A_358 : i32
        %and3A_360 = arith.andi %ne3A_356, %ne3A_359 : i1
        %sub3A_361 = arith.constant 1 : i32
        %sub3A_362 = arith.subi %div3A_341, %sub3A_361 : i32
        %select_n3A_363 = arith.select %and3A_360, %sub3A_362, %div3A_341 : i32
        %jit3A_364 = arith.constant 16 : i32
        %eq3A_365 = arith.constant 0 : i32
        %eq3A_366 = arith.cmpi eq, %jit3A_364, %eq3A_365 : i32
        %jit3A_367 = arith.constant 1 : i32
        %select_n3A_368 = arith.select %eq3A_366, %jit3A_367, %jit3A_364 : i32
        %rem3A_369 = arith.remsi %add3A_219, %select_n3A_368 : i32
        %ne3A_370 = arith.constant 0 : i32
        %ne3A_371 = arith.cmpi ne, %rem3A_369, %ne3A_370 : i32
        %lt3A_372 = arith.constant 0 : i32
        %lt3A_373 = arith.cmpi slt, %rem3A_369, %lt3A_372 : i32
        %lt3A_374 = arith.constant 0 : i32
        %lt3A_375 = arith.cmpi slt, %select_n3A_368, %lt3A_374 : i32
        %ne3A_376 = arith.xori %lt3A_373, %lt3A_375 : i1
        %and3A_377 = arith.andi %ne3A_376, %ne3A_371 : i1
        %add3A_378 = arith.addi %rem3A_369, %select_n3A_368 : i32
        %select_n3A_379 = arith.select %and3A_377, %add3A_378, %rem3A_369 : i32
        %jit3A_380 = arith.constant 16 : i32
        %div3A_381 = arith.divsi %add3A_237, %jit3A_380 : i32
        %sign3A_382 = arith.constant 0 : i32
        %sign3A_383 = arith.cmpi sgt, %add3A_237, %sign3A_382 : i32
        %sign3A_384 = arith.extui %sign3A_383 : i1 to i32
        %sign3A_385 = arith.constant 0 : i32
        %sign3A_386 = arith.cmpi slt, %add3A_237, %sign3A_385 : i32
        %sign3A_387 = arith.extui %sign3A_386 : i1 to i32
        %sign3A_388 = arith.subi %sign3A_384, %sign3A_387 : i32
        %sign3A_389 = arith.constant 0 : i32
        %sign3A_390 = arith.cmpi sgt, %jit3A_380, %sign3A_389 : i32
        %sign3A_391 = arith.extui %sign3A_390 : i1 to i32
        %sign3A_392 = arith.constant 0 : i32
        %sign3A_393 = arith.cmpi slt, %jit3A_380, %sign3A_392 : i32
        %sign3A_394 = arith.extui %sign3A_393 : i1 to i32
        %sign3A_395 = arith.subi %sign3A_391, %sign3A_394 : i32
        %ne3A_396 = arith.cmpi ne, %sign3A_388, %sign3A_395 : i32
        %rem3A_397 = arith.remsi %add3A_237, %jit3A_380 : i32
        %ne3A_398 = arith.constant 0 : i32
        %ne3A_399 = arith.cmpi ne, %rem3A_397, %ne3A_398 : i32
        %and3A_400 = arith.andi %ne3A_396, %ne3A_399 : i1
        %sub3A_401 = arith.constant 1 : i32
        %sub3A_402 = arith.subi %div3A_381, %sub3A_401 : i32
        %select_n3A_403 = arith.select %and3A_400, %sub3A_402, %div3A_381 : i32
        %jit3A_404 = arith.constant 16 : i32
        %eq3A_405 = arith.constant 0 : i32
        %eq3A_406 = arith.cmpi eq, %jit3A_404, %eq3A_405 : i32
        %jit3A_407 = arith.constant 1 : i32
        %select_n3A_408 = arith.select %eq3A_406, %jit3A_407, %jit3A_404 : i32
        %rem3A_409 = arith.remsi %add3A_237, %select_n3A_408 : i32
        %ne3A_410 = arith.constant 0 : i32
        %ne3A_411 = arith.cmpi ne, %rem3A_409, %ne3A_410 : i32
        %lt3A_412 = arith.constant 0 : i32
        %lt3A_413 = arith.cmpi slt, %rem3A_409, %lt3A_412 : i32
        %lt3A_414 = arith.constant 0 : i32
        %lt3A_415 = arith.cmpi slt, %select_n3A_408, %lt3A_414 : i32
        %ne3A_416 = arith.xori %lt3A_413, %lt3A_415 : i1
        %and3A_417 = arith.andi %ne3A_416, %ne3A_411 : i1
        %add3A_418 = arith.addi %rem3A_409, %select_n3A_408 : i32
        %select_n3A_419 = arith.select %and3A_417, %add3A_418, %rem3A_409 : i32
        %ne3A_420 = arith.cmpi ne, %select_n3A_363, %select_n3A_403 : i32
        %ne3A_421 = arith.cmpi ne, %select_n3A_379, %select_n3A_419 : i32
        %or3A_422 = arith.constant false
        %or3A_423 = arith.ori %or3A_422, %ne3A_420 : i1
        %or3A_424 = arith.ori %or3A_423, %ne3A_421 : i1
        %ge3A_425 = arith.constant 2 : i32
        %ge3A_426 = arith.cmpi sge, %scan3A_209, %ge3A_425 : i32
        %not3A_427 = arith.constant true
        %not3A_428 = arith.xori %ge3A_426, %not3A_427 : i1
        %and3A_429 = arith.andi %or3A_424, %not3A_428 : i1
        %convert_element_type3A_430 = arith.extui %and3A_429 : i1 to i32
        %cond3A_431 = arith.constant 0 : i32
        %cond3A_432 = arith.cmpi ne, %convert_element_type3A_430, %cond3A_431 : i32
        scf.if %cond3A_432 {
          "tpu.trace_start"() <{level = 10 : i32, message = "ep_copy_in"}> : () -> ()
          %rem3A_1196 = arith.constant 2 : i32
          %rem3A_1197 = arith.remui %scan3A_212, %rem3A_1196 : i32
          %jit3A_1198 = arith.constant 16 : i32
          %div3A_1199 = arith.divsi %add3A_237, %jit3A_1198 : i32
          %sign3A_1200 = arith.constant 0 : i32
          %sign3A_1201 = arith.cmpi sgt, %add3A_237, %sign3A_1200 : i32
          %sign3A_1202 = arith.extui %sign3A_1201 : i1 to i32
          %sign3A_1203 = arith.constant 0 : i32
          %sign3A_1204 = arith.cmpi slt, %add3A_237, %sign3A_1203 : i32
          %sign3A_1205 = arith.extui %sign3A_1204 : i1 to i32
          %sign3A_1206 = arith.subi %sign3A_1202, %sign3A_1205 : i32
          %sign3A_1207 = arith.constant 0 : i32
          %sign3A_1208 = arith.cmpi sgt, %jit3A_1198, %sign3A_1207 : i32
          %sign3A_1209 = arith.extui %sign3A_1208 : i1 to i32
          %sign3A_1210 = arith.constant 0 : i32
          %sign3A_1211 = arith.cmpi slt, %jit3A_1198, %sign3A_1210 : i32
          %sign3A_1212 = arith.extui %sign3A_1211 : i1 to i32
          %sign3A_1213 = arith.subi %sign3A_1209, %sign3A_1212 : i32
          %ne3A_1214 = arith.cmpi ne, %sign3A_1206, %sign3A_1213 : i32
          %rem3A_1215 = arith.remsi %add3A_237, %jit3A_1198 : i32
          %ne3A_1216 = arith.constant 0 : i32
          %ne3A_1217 = arith.cmpi ne, %rem3A_1215, %ne3A_1216 : i32
          %and3A_1218 = arith.andi %ne3A_1214, %ne3A_1217 : i1
          %sub3A_1219 = arith.constant 1 : i32
          %sub3A_1220 = arith.subi %div3A_1199, %sub3A_1219 : i32
          %select_n3A_1221 = arith.select %and3A_1218, %sub3A_1220, %div3A_1199 : i32
          %jit3A_1222 = arith.constant 16 : i32
          %eq3A_1223 = arith.constant 0 : i32
          %eq3A_1224 = arith.cmpi eq, %jit3A_1222, %eq3A_1223 : i32
          %jit3A_1225 = arith.constant 1 : i32
          %select_n3A_1226 = arith.select %eq3A_1224, %jit3A_1225, %jit3A_1222 : i32
          %rem3A_1227 = arith.remsi %add3A_237, %select_n3A_1226 : i32
          %ne3A_1228 = arith.constant 0 : i32
          %ne3A_1229 = arith.cmpi ne, %rem3A_1227, %ne3A_1228 : i32
          %lt3A_1230 = arith.constant 0 : i32
          %lt3A_1231 = arith.cmpi slt, %rem3A_1227, %lt3A_1230 : i32
          %lt3A_1232 = arith.constant 0 : i32
          %lt3A_1233 = arith.cmpi slt, %select_n3A_1226, %lt3A_1232 : i32
          %ne3A_1234 = arith.xori %lt3A_1231, %lt3A_1233 : i1
          %and3A_1235 = arith.andi %ne3A_1234, %ne3A_1229 : i1
          %add3A_1236 = arith.addi %rem3A_1227, %select_n3A_1226 : i32
          %select_n3A_1237 = arith.select %and3A_1235, %add3A_1236, %rem3A_1227 : i32
          %mul3A_1238 = arith.constant 8 : i32
          %mul3A_1239 = arith.muli %mul3A_1238, %select_n3A_1221 : i32
          %mul3A_1240 = arith.constant 2048 : i32
          %mul3A_1241 = arith.muli %mul3A_1240, %select_n3A_1237 : i32
          %dma_start3A_1242 = arith.constant 0 : i32
          %dma_start3A_1243 = arith.constant 0 : i32
          %dma_start3A_1244 = tpu.memref_slice %run_scoped3A_15[%rem3A_1197, %dma_start3A_1242, %dma_start3A_1243] : memref<2x8x2048xf32, #tpu.memory_space<vmem>> -> memref<1x8x2048xf32, #tpu.memory_space<vmem>>
          %dma_start3A_1245 = tpu.memref_squeeze %dma_start3A_1244 : memref<1x8x2048xf32, #tpu.memory_space<vmem>> -> memref<8x2048xf32, #tpu.memory_space<vmem>>
          %dma_start3A_1246 = tpu.memref_slice %arg3[%mul3A_1239, %mul3A_1241] : memref<128x32768xf32, #tpu.memory_space<hbm>> -> memref<8x2048xf32, #tpu.memory_space<hbm>>
          %dma_start3A_1247 = tpu.memref_slice %run_scoped3A_16[%rem3A_1197] : memref<2x!tpu.dma_semaphore, #tpu.memory_space<semaphore_mem>> -> memref<1x!tpu.dma_semaphore, #tpu.memory_space<semaphore_mem>>
          %dma_start3A_1248 = tpu.memref_squeeze %dma_start3A_1247 : memref<1x!tpu.dma_semaphore, #tpu.memory_space<semaphore_mem>> -> memref<!tpu.dma_semaphore, #tpu.memory_space<semaphore_mem>>
          %dma_start3A_1249 = arith.constant 0 : i32
          %dma_start3A_1250 = arith.constant 0 : i32
          %dma_start3A_1251 = tpu.memref_slice %run_scoped3A_15[%rem3A_1197, %dma_start3A_1249, %dma_start3A_1250] : memref<2x8x2048xf32, #tpu.memory_space<vmem>> -> memref<1x8x2048xf32, #tpu.memory_space<vmem>>
          %dma_start3A_1252 = tpu.memref_squeeze %dma_start3A_1251 : memref<1x8x2048xf32, #tpu.memory_space<vmem>> -> memref<8x2048xf32, #tpu.memory_space<vmem>>
          %dma_start3A_1253 = tpu.memref_slice %arg3[%mul3A_1239, %mul3A_1241] : memref<128x32768xf32, #tpu.memory_space<hbm>> -> memref<8x2048xf32, #tpu.memory_space<hbm>>
          tpu.enqueue_dma source(%dma_start3A_1253 : memref<8x2048xf32, #tpu.memory_space<hbm>>) target(%dma_start3A_1252 : memref<8x2048xf32, #tpu.memory_space<vmem>>) target_semaphore(%dma_start3A_1248 : memref<!tpu.dma_semaphore, #tpu.memory_space<semaphore_mem>>)
          "tpu.trace_stop"() : () -> ()
        } else {
        }
        %and3A_433 = arith.constant true
        %and3A_434 = arith.andi %and3A_429, %and3A_433 : i1
        %add3A_435 = arith.constant 1 : i32
        %add3A_436 = arith.addi %scan3A_212, %add3A_435 : i32
        %select_n3A_437 = arith.select %and3A_434, %add3A_436, %scan3A_212 : i32
        %jit3A_438 = arith.constant 16 : i32
        %div3A_439 = arith.divsi %add3A_219, %jit3A_438 : i32
        %sign3A_440 = arith.constant 0 : i32
        %sign3A_441 = arith.cmpi sgt, %add3A_219, %sign3A_440 : i32
        %sign3A_442 = arith.extui %sign3A_441 : i1 to i32
        %sign3A_443 = arith.constant 0 : i32
        %sign3A_444 = arith.cmpi slt, %add3A_219, %sign3A_443 : i32
        %sign3A_445 = arith.extui %sign3A_444 : i1 to i32
        %sign3A_446 = arith.subi %sign3A_442, %sign3A_445 : i32
        %sign3A_447 = arith.constant 0 : i32
        %sign3A_448 = arith.cmpi sgt, %jit3A_438, %sign3A_447 : i32
        %sign3A_449 = arith.extui %sign3A_448 : i1 to i32
        %sign3A_450 = arith.constant 0 : i32
        %sign3A_451 = arith.cmpi slt, %jit3A_438, %sign3A_450 : i32
        %sign3A_452 = arith.extui %sign3A_451 : i1 to i32
        %sign3A_453 = arith.subi %sign3A_449, %sign3A_452 : i32
        %ne3A_454 = arith.cmpi ne, %sign3A_446, %sign3A_453 : i32
        %rem3A_455 = arith.remsi %add3A_219, %jit3A_438 : i32
        %ne3A_456 = arith.constant 0 : i32
        %ne3A_457 = arith.cmpi ne, %rem3A_455, %ne3A_456 : i32
        %and3A_458 = arith.andi %ne3A_454, %ne3A_457 : i1
        %sub3A_459 = arith.constant 1 : i32
        %sub3A_460 = arith.subi %div3A_439, %sub3A_459 : i32
        %select_n3A_461 = arith.select %and3A_458, %sub3A_460, %div3A_439 : i32
        %jit3A_462 = arith.constant 16 : i32
        %eq3A_463 = arith.constant 0 : i32
        %eq3A_464 = arith.cmpi eq, %jit3A_462, %eq3A_463 : i32
        %jit3A_465 = arith.constant 1 : i32
        %select_n3A_466 = arith.select %eq3A_464, %jit3A_465, %jit3A_462 : i32
        %rem3A_467 = arith.remsi %add3A_219, %select_n3A_466 : i32
        %ne3A_468 = arith.constant 0 : i32
        %ne3A_469 = arith.cmpi ne, %rem3A_467, %ne3A_468 : i32
        %lt3A_470 = arith.constant 0 : i32
        %lt3A_471 = arith.cmpi slt, %rem3A_467, %lt3A_470 : i32
        %lt3A_472 = arith.constant 0 : i32
        %lt3A_473 = arith.cmpi slt, %select_n3A_466, %lt3A_472 : i32
        %ne3A_474 = arith.xori %lt3A_471, %lt3A_473 : i1
        %and3A_475 = arith.andi %ne3A_474, %ne3A_469 : i1
        %add3A_476 = arith.addi %rem3A_467, %select_n3A_466 : i32
        %select_n3A_477 = arith.select %and3A_475, %add3A_476, %rem3A_467 : i32
        %jit3A_478 = arith.constant 16 : i32
        %div3A_479 = arith.divsi %add3A_228, %jit3A_478 : i32
        %sign3A_480 = arith.constant 0 : i32
        %sign3A_481 = arith.cmpi sgt, %add3A_228, %sign3A_480 : i32
        %sign3A_482 = arith.extui %sign3A_481 : i1 to i32
        %sign3A_483 = arith.constant 0 : i32
        %sign3A_484 = arith.cmpi slt, %add3A_228, %sign3A_483 : i32
        %sign3A_485 = arith.extui %sign3A_484 : i1 to i32
        %sign3A_486 = arith.subi %sign3A_482, %sign3A_485 : i32
        %sign3A_487 = arith.constant 0 : i32
        %sign3A_488 = arith.cmpi sgt, %jit3A_478, %sign3A_487 : i32
        %sign3A_489 = arith.extui %sign3A_488 : i1 to i32
        %sign3A_490 = arith.constant 0 : i32
        %sign3A_491 = arith.cmpi slt, %jit3A_478, %sign3A_490 : i32
        %sign3A_492 = arith.extui %sign3A_491 : i1 to i32
        %sign3A_493 = arith.subi %sign3A_489, %sign3A_492 : i32
        %ne3A_494 = arith.cmpi ne, %sign3A_486, %sign3A_493 : i32
        %rem3A_495 = arith.remsi %add3A_228, %jit3A_478 : i32
        %ne3A_496 = arith.constant 0 : i32
        %ne3A_497 = arith.cmpi ne, %rem3A_495, %ne3A_496 : i32
        %and3A_498 = arith.andi %ne3A_494, %ne3A_497 : i1
        %sub3A_499 = arith.constant 1 : i32
        %sub3A_500 = arith.subi %div3A_479, %sub3A_499 : i32
        %select_n3A_501 = arith.select %and3A_498, %sub3A_500, %div3A_479 : i32
        %jit3A_502 = arith.constant 16 : i32
        %eq3A_503 = arith.constant 0 : i32
        %eq3A_504 = arith.cmpi eq, %jit3A_502, %eq3A_503 : i32
        %jit3A_505 = arith.constant 1 : i32
        %select_n3A_506 = arith.select %eq3A_504, %jit3A_505, %jit3A_502 : i32
        %rem3A_507 = arith.remsi %add3A_228, %select_n3A_506 : i32
        %ne3A_508 = arith.constant 0 : i32
        %ne3A_509 = arith.cmpi ne, %rem3A_507, %ne3A_508 : i32
        %lt3A_510 = arith.constant 0 : i32
        %lt3A_511 = arith.cmpi slt, %rem3A_507, %lt3A_510 : i32
        %lt3A_512 = arith.constant 0 : i32
        %lt3A_513 = arith.cmpi slt, %select_n3A_506, %lt3A_512 : i32
        %ne3A_514 = arith.xori %lt3A_511, %lt3A_513 : i1
        %and3A_515 = arith.andi %ne3A_514, %ne3A_509 : i1
        %add3A_516 = arith.addi %rem3A_507, %select_n3A_506 : i32
        %select_n3A_517 = arith.select %and3A_515, %add3A_516, %rem3A_507 : i32
        %ne3A_518 = arith.cmpi ne, %select_n3A_461, %select_n3A_501 : i32
        %ne3A_519 = arith.cmpi ne, %select_n3A_477, %select_n3A_517 : i32
        %or3A_520 = arith.constant false
        %or3A_521 = arith.ori %or3A_520, %ne3A_518 : i1
        %or3A_522 = arith.ori %or3A_521, %ne3A_519 : i1
        %or3A_523 = arith.ori %or3A_522, %eq3A_216 : i1
        %convert_element_type3A_524 = arith.extui %or3A_523 : i1 to i32
        %cond3A_525 = arith.constant 0 : i32
        %cond3A_526 = arith.cmpi ne, %convert_element_type3A_524, %cond3A_525 : i32
        scf.if %cond3A_526 {
          %jit3A_1196 = arith.constant 16 : i32
          "tpu.trace_start"() <{level = 10 : i32, message = "ep_wait_in"}> : () -> ()
          %div3A_1197 = arith.divsi %add3A_219, %jit3A_1196 : i32
          %sign3A_1198 = arith.constant 0 : i32
          %sign3A_1199 = arith.cmpi sgt, %add3A_219, %sign3A_1198 : i32
          %sign3A_1200 = arith.extui %sign3A_1199 : i1 to i32
          %sign3A_1201 = arith.constant 0 : i32
          %sign3A_1202 = arith.cmpi slt, %add3A_219, %sign3A_1201 : i32
          %sign3A_1203 = arith.extui %sign3A_1202 : i1 to i32
          %sign3A_1204 = arith.subi %sign3A_1200, %sign3A_1203 : i32
          %sign3A_1205 = arith.constant 0 : i32
          %sign3A_1206 = arith.cmpi sgt, %jit3A_1196, %sign3A_1205 : i32
          %sign3A_1207 = arith.extui %sign3A_1206 : i1 to i32
          %sign3A_1208 = arith.constant 0 : i32
          %sign3A_1209 = arith.cmpi slt, %jit3A_1196, %sign3A_1208 : i32
          %sign3A_1210 = arith.extui %sign3A_1209 : i1 to i32
          %sign3A_1211 = arith.subi %sign3A_1207, %sign3A_1210 : i32
          %ne3A_1212 = arith.cmpi ne, %sign3A_1204, %sign3A_1211 : i32
          %rem3A_1213 = arith.remsi %add3A_219, %jit3A_1196 : i32
          %ne3A_1214 = arith.constant 0 : i32
          %ne3A_1215 = arith.cmpi ne, %rem3A_1213, %ne3A_1214 : i32
          %and3A_1216 = arith.andi %ne3A_1212, %ne3A_1215 : i1
          %sub3A_1217 = arith.constant 1 : i32
          %sub3A_1218 = arith.subi %div3A_1197, %sub3A_1217 : i32
          %select_n3A_1219 = arith.select %and3A_1216, %sub3A_1218, %div3A_1197 : i32
          %jit3A_1220 = arith.constant 16 : i32
          %eq3A_1221 = arith.constant 0 : i32
          %eq3A_1222 = arith.cmpi eq, %jit3A_1220, %eq3A_1221 : i32
          %jit3A_1223 = arith.constant 1 : i32
          %select_n3A_1224 = arith.select %eq3A_1222, %jit3A_1223, %jit3A_1220 : i32
          %rem3A_1225 = arith.remsi %add3A_219, %select_n3A_1224 : i32
          %ne3A_1226 = arith.constant 0 : i32
          %ne3A_1227 = arith.cmpi ne, %rem3A_1225, %ne3A_1226 : i32
          %lt3A_1228 = arith.constant 0 : i32
          %lt3A_1229 = arith.cmpi slt, %rem3A_1225, %lt3A_1228 : i32
          %lt3A_1230 = arith.constant 0 : i32
          %lt3A_1231 = arith.cmpi slt, %select_n3A_1224, %lt3A_1230 : i32
          %ne3A_1232 = arith.xori %lt3A_1229, %lt3A_1231 : i1
          %and3A_1233 = arith.andi %ne3A_1232, %ne3A_1227 : i1
          %add3A_1234 = arith.addi %rem3A_1225, %select_n3A_1224 : i32
          %select_n3A_1235 = arith.select %and3A_1233, %add3A_1234, %rem3A_1225 : i32
          %mul3A_1236 = arith.constant 8 : i32
          %mul3A_1237 = arith.muli %mul3A_1236, %select_n3A_1219 : i32
          %mul3A_1238 = arith.constant 2048 : i32
          %mul3A_1239 = arith.muli %mul3A_1238, %select_n3A_1235 : i32
          %rem3A_1240 = arith.constant 2 : i32
          %rem3A_1241 = arith.remui %scan3A_211, %rem3A_1240 : i32
          %dma_wait3A = arith.constant 0 : i32
          %dma_wait3A_1242 = arith.constant 0 : i32
          %dma_wait3A_1243 = tpu.memref_slice %run_scoped3A[%rem3A_1241, %dma_wait3A, %dma_wait3A_1242] : memref<2x8x2048xf32, #tpu.memory_space<vmem>> -> memref<1x8x2048xf32, #tpu.memory_space<vmem>>
          %dma_wait3A_1244 = tpu.memref_squeeze %dma_wait3A_1243 : memref<1x8x2048xf32, #tpu.memory_space<vmem>> -> memref<8x2048xf32, #tpu.memory_space<vmem>>
          %dma_wait3A_1245 = tpu.memref_slice %arg2[%mul3A_1237, %mul3A_1239] : memref<128x32768xf32, #tpu.memory_space<hbm>> -> memref<8x2048xf32, #tpu.memory_space<hbm>>
          %dma_wait3A_1246 = tpu.memref_slice %run_scoped3A_14[%rem3A_1241] : memref<2x!tpu.dma_semaphore, #tpu.memory_space<semaphore_mem>> -> memref<1x!tpu.dma_semaphore, #tpu.memory_space<semaphore_mem>>
          %dma_wait3A_1247 = tpu.memref_squeeze %dma_wait3A_1246 : memref<1x!tpu.dma_semaphore, #tpu.memory_space<semaphore_mem>> -> memref<!tpu.dma_semaphore, #tpu.memory_space<semaphore_mem>>
          %dma_wait3A_1248 = arith.constant 0 : i32
          %dma_wait3A_1249 = arith.constant 0 : i32
          %dma_wait3A_1250 = tpu.memref_slice %run_scoped3A[%rem3A_1241, %dma_wait3A_1248, %dma_wait3A_1249] : memref<2x8x2048xf32, #tpu.memory_space<vmem>> -> memref<1x8x2048xf32, #tpu.memory_space<vmem>>
          %dma_wait3A_1251 = tpu.memref_squeeze %dma_wait3A_1250 : memref<1x8x2048xf32, #tpu.memory_space<vmem>> -> memref<8x2048xf32, #tpu.memory_space<vmem>>
          %dma_wait3A_1252 = tpu.memref_slice %arg2[%mul3A_1237, %mul3A_1239] : memref<128x32768xf32, #tpu.memory_space<hbm>> -> memref<8x2048xf32, #tpu.memory_space<hbm>>
          tpu.wait_dma2 semaphore(%dma_wait3A_1247 : memref<!tpu.dma_semaphore, #tpu.memory_space<semaphore_mem>>) src(%dma_wait3A_1252 : memref<8x2048xf32, #tpu.memory_space<hbm>>) dst(%dma_wait3A_1251 : memref<8x2048xf32, #tpu.memory_space<vmem>>)
          "tpu.trace_stop"() : () -> ()
        } else {
        }
        %jit3A_527 = arith.constant 16 : i32
        %div3A_528 = arith.divsi %add3A_219, %jit3A_527 : i32
        %sign3A_529 = arith.constant 0 : i32
        %sign3A_530 = arith.cmpi sgt, %add3A_219, %sign3A_529 : i32
        %sign3A_531 = arith.extui %sign3A_530 : i1 to i32
        %sign3A_532 = arith.constant 0 : i32
        %sign3A_533 = arith.cmpi slt, %add3A_219, %sign3A_532 : i32
        %sign3A_534 = arith.extui %sign3A_533 : i1 to i32
        %sign3A_535 = arith.subi %sign3A_531, %sign3A_534 : i32
        %sign3A_536 = arith.constant 0 : i32
        %sign3A_537 = arith.cmpi sgt, %jit3A_527, %sign3A_536 : i32
        %sign3A_538 = arith.extui %sign3A_537 : i1 to i32
        %sign3A_539 = arith.constant 0 : i32
        %sign3A_540 = arith.cmpi slt, %jit3A_527, %sign3A_539 : i32
        %sign3A_541 = arith.extui %sign3A_540 : i1 to i32
        %sign3A_542 = arith.subi %sign3A_538, %sign3A_541 : i32
        %ne3A_543 = arith.cmpi ne, %sign3A_535, %sign3A_542 : i32
        %rem3A_544 = arith.remsi %add3A_219, %jit3A_527 : i32
        %ne3A_545 = arith.constant 0 : i32
        %ne3A_546 = arith.cmpi ne, %rem3A_544, %ne3A_545 : i32
        %and3A_547 = arith.andi %ne3A_543, %ne3A_546 : i1
        %sub3A_548 = arith.constant 1 : i32
        %sub3A_549 = arith.subi %div3A_528, %sub3A_548 : i32
        %select_n3A_550 = arith.select %and3A_547, %sub3A_549, %div3A_528 : i32
        %jit3A_551 = arith.constant 16 : i32
        %eq3A_552 = arith.constant 0 : i32
        %eq3A_553 = arith.cmpi eq, %jit3A_551, %eq3A_552 : i32
        %jit3A_554 = arith.constant 1 : i32
        %select_n3A_555 = arith.select %eq3A_553, %jit3A_554, %jit3A_551 : i32
        %rem3A_556 = arith.remsi %add3A_219, %select_n3A_555 : i32
        %ne3A_557 = arith.constant 0 : i32
        %ne3A_558 = arith.cmpi ne, %rem3A_556, %ne3A_557 : i32
        %lt3A_559 = arith.constant 0 : i32
        %lt3A_560 = arith.cmpi slt, %rem3A_556, %lt3A_559 : i32
        %lt3A_561 = arith.constant 0 : i32
        %lt3A_562 = arith.cmpi slt, %select_n3A_555, %lt3A_561 : i32
        %ne3A_563 = arith.xori %lt3A_560, %lt3A_562 : i1
        %and3A_564 = arith.andi %ne3A_563, %ne3A_558 : i1
        %add3A_565 = arith.addi %rem3A_556, %select_n3A_555 : i32
        %select_n3A_566 = arith.select %and3A_564, %add3A_565, %rem3A_556 : i32
        %jit3A_567 = arith.constant 16 : i32
        %div3A_568 = arith.divsi %add3A_228, %jit3A_567 : i32
        %sign3A_569 = arith.constant 0 : i32
        %sign3A_570 = arith.cmpi sgt, %add3A_228, %sign3A_569 : i32
        %sign3A_571 = arith.extui %sign3A_570 : i1 to i32
        %sign3A_572 = arith.constant 0 : i32
        %sign3A_573 = arith.cmpi slt, %add3A_228, %sign3A_572 : i32
        %sign3A_574 = arith.extui %sign3A_573 : i1 to i32
        %sign3A_575 = arith.subi %sign3A_571, %sign3A_574 : i32
        %sign3A_576 = arith.constant 0 : i32
        %sign3A_577 = arith.cmpi sgt, %jit3A_567, %sign3A_576 : i32
        %sign3A_578 = arith.extui %sign3A_577 : i1 to i32
        %sign3A_579 = arith.constant 0 : i32
        %sign3A_580 = arith.cmpi slt, %jit3A_567, %sign3A_579 : i32
        %sign3A_581 = arith.extui %sign3A_580 : i1 to i32
        %sign3A_582 = arith.subi %sign3A_578, %sign3A_581 : i32
        %ne3A_583 = arith.cmpi ne, %sign3A_575, %sign3A_582 : i32
        %rem3A_584 = arith.remsi %add3A_228, %jit3A_567 : i32
        %ne3A_585 = arith.constant 0 : i32
        %ne3A_586 = arith.cmpi ne, %rem3A_584, %ne3A_585 : i32
        %and3A_587 = arith.andi %ne3A_583, %ne3A_586 : i1
        %sub3A_588 = arith.constant 1 : i32
        %sub3A_589 = arith.subi %div3A_568, %sub3A_588 : i32
        %select_n3A_590 = arith.select %and3A_587, %sub3A_589, %div3A_568 : i32
        %jit3A_591 = arith.constant 16 : i32
        %eq3A_592 = arith.constant 0 : i32
        %eq3A_593 = arith.cmpi eq, %jit3A_591, %eq3A_592 : i32
        %jit3A_594 = arith.constant 1 : i32
        %select_n3A_595 = arith.select %eq3A_593, %jit3A_594, %jit3A_591 : i32
        %rem3A_596 = arith.remsi %add3A_228, %select_n3A_595 : i32
        %ne3A_597 = arith.constant 0 : i32
        %ne3A_598 = arith.cmpi ne, %rem3A_596, %ne3A_597 : i32
        %lt3A_599 = arith.constant 0 : i32
        %lt3A_600 = arith.cmpi slt, %rem3A_596, %lt3A_599 : i32
        %lt3A_601 = arith.constant 0 : i32
        %lt3A_602 = arith.cmpi slt, %select_n3A_595, %lt3A_601 : i32
        %ne3A_603 = arith.xori %lt3A_600, %lt3A_602 : i1
        %and3A_604 = arith.andi %ne3A_603, %ne3A_598 : i1
        %add3A_605 = arith.addi %rem3A_596, %select_n3A_595 : i32
        %select_n3A_606 = arith.select %and3A_604, %add3A_605, %rem3A_596 : i32
        %ne3A_607 = arith.cmpi ne, %select_n3A_550, %select_n3A_590 : i32
        %ne3A_608 = arith.cmpi ne, %select_n3A_566, %select_n3A_606 : i32
        %or3A_609 = arith.constant false
        %or3A_610 = arith.ori %or3A_609, %ne3A_607 : i1
        %or3A_611 = arith.ori %or3A_610, %ne3A_608 : i1
        %or3A_612 = arith.ori %or3A_611, %eq3A_216 : i1
        %convert_element_type3A_613 = arith.extui %or3A_612 : i1 to i32
        %cond3A_614 = arith.constant 0 : i32
        %cond3A_615 = arith.cmpi ne, %convert_element_type3A_613, %cond3A_614 : i32
        scf.if %cond3A_615 {
          %jit3A_1196 = arith.constant 16 : i32
          "tpu.trace_start"() <{level = 10 : i32, message = "ep_wait_in"}> : () -> ()
          %div3A_1197 = arith.divsi %add3A_219, %jit3A_1196 : i32
          %sign3A_1198 = arith.constant 0 : i32
          %sign3A_1199 = arith.cmpi sgt, %add3A_219, %sign3A_1198 : i32
          %sign3A_1200 = arith.extui %sign3A_1199 : i1 to i32
          %sign3A_1201 = arith.constant 0 : i32
          %sign3A_1202 = arith.cmpi slt, %add3A_219, %sign3A_1201 : i32
          %sign3A_1203 = arith.extui %sign3A_1202 : i1 to i32
          %sign3A_1204 = arith.subi %sign3A_1200, %sign3A_1203 : i32
          %sign3A_1205 = arith.constant 0 : i32
          %sign3A_1206 = arith.cmpi sgt, %jit3A_1196, %sign3A_1205 : i32
          %sign3A_1207 = arith.extui %sign3A_1206 : i1 to i32
          %sign3A_1208 = arith.constant 0 : i32
          %sign3A_1209 = arith.cmpi slt, %jit3A_1196, %sign3A_1208 : i32
          %sign3A_1210 = arith.extui %sign3A_1209 : i1 to i32
          %sign3A_1211 = arith.subi %sign3A_1207, %sign3A_1210 : i32
          %ne3A_1212 = arith.cmpi ne, %sign3A_1204, %sign3A_1211 : i32
          %rem3A_1213 = arith.remsi %add3A_219, %jit3A_1196 : i32
          %ne3A_1214 = arith.constant 0 : i32
          %ne3A_1215 = arith.cmpi ne, %rem3A_1213, %ne3A_1214 : i32
          %and3A_1216 = arith.andi %ne3A_1212, %ne3A_1215 : i1
          %sub3A_1217 = arith.constant 1 : i32
          %sub3A_1218 = arith.subi %div3A_1197, %sub3A_1217 : i32
          %select_n3A_1219 = arith.select %and3A_1216, %sub3A_1218, %div3A_1197 : i32
          %jit3A_1220 = arith.constant 16 : i32
          %eq3A_1221 = arith.constant 0 : i32
          %eq3A_1222 = arith.cmpi eq, %jit3A_1220, %eq3A_1221 : i32
          %jit3A_1223 = arith.constant 1 : i32
          %select_n3A_1224 = arith.select %eq3A_1222, %jit3A_1223, %jit3A_1220 : i32
          %rem3A_1225 = arith.remsi %add3A_219, %select_n3A_1224 : i32
          %ne3A_1226 = arith.constant 0 : i32
          %ne3A_1227 = arith.cmpi ne, %rem3A_1225, %ne3A_1226 : i32
          %lt3A_1228 = arith.constant 0 : i32
          %lt3A_1229 = arith.cmpi slt, %rem3A_1225, %lt3A_1228 : i32
          %lt3A_1230 = arith.constant 0 : i32
          %lt3A_1231 = arith.cmpi slt, %select_n3A_1224, %lt3A_1230 : i32
          %ne3A_1232 = arith.xori %lt3A_1229, %lt3A_1231 : i1
          %and3A_1233 = arith.andi %ne3A_1232, %ne3A_1227 : i1
          %add3A_1234 = arith.addi %rem3A_1225, %select_n3A_1224 : i32
          %select_n3A_1235 = arith.select %and3A_1233, %add3A_1234, %rem3A_1225 : i32
          %mul3A_1236 = arith.constant 8 : i32
          %mul3A_1237 = arith.muli %mul3A_1236, %select_n3A_1219 : i32
          %mul3A_1238 = arith.constant 2048 : i32
          %mul3A_1239 = arith.muli %mul3A_1238, %select_n3A_1235 : i32
          %rem3A_1240 = arith.constant 2 : i32
          %rem3A_1241 = arith.remui %scan3A_213, %rem3A_1240 : i32
          %dma_wait3A = arith.constant 0 : i32
          %dma_wait3A_1242 = arith.constant 0 : i32
          %dma_wait3A_1243 = tpu.memref_slice %run_scoped3A_15[%rem3A_1241, %dma_wait3A, %dma_wait3A_1242] : memref<2x8x2048xf32, #tpu.memory_space<vmem>> -> memref<1x8x2048xf32, #tpu.memory_space<vmem>>
          %dma_wait3A_1244 = tpu.memref_squeeze %dma_wait3A_1243 : memref<1x8x2048xf32, #tpu.memory_space<vmem>> -> memref<8x2048xf32, #tpu.memory_space<vmem>>
          %dma_wait3A_1245 = tpu.memref_slice %arg3[%mul3A_1237, %mul3A_1239] : memref<128x32768xf32, #tpu.memory_space<hbm>> -> memref<8x2048xf32, #tpu.memory_space<hbm>>
          %dma_wait3A_1246 = tpu.memref_slice %run_scoped3A_16[%rem3A_1241] : memref<2x!tpu.dma_semaphore, #tpu.memory_space<semaphore_mem>> -> memref<1x!tpu.dma_semaphore, #tpu.memory_space<semaphore_mem>>
          %dma_wait3A_1247 = tpu.memref_squeeze %dma_wait3A_1246 : memref<1x!tpu.dma_semaphore, #tpu.memory_space<semaphore_mem>> -> memref<!tpu.dma_semaphore, #tpu.memory_space<semaphore_mem>>
          %dma_wait3A_1248 = arith.constant 0 : i32
          %dma_wait3A_1249 = arith.constant 0 : i32
          %dma_wait3A_1250 = tpu.memref_slice %run_scoped3A_15[%rem3A_1241, %dma_wait3A_1248, %dma_wait3A_1249] : memref<2x8x2048xf32, #tpu.memory_space<vmem>> -> memref<1x8x2048xf32, #tpu.memory_space<vmem>>
          %dma_wait3A_1251 = tpu.memref_squeeze %dma_wait3A_1250 : memref<1x8x2048xf32, #tpu.memory_space<vmem>> -> memref<8x2048xf32, #tpu.memory_space<vmem>>
          %dma_wait3A_1252 = tpu.memref_slice %arg3[%mul3A_1237, %mul3A_1239] : memref<128x32768xf32, #tpu.memory_space<hbm>> -> memref<8x2048xf32, #tpu.memory_space<hbm>>
          tpu.wait_dma2 semaphore(%dma_wait3A_1247 : memref<!tpu.dma_semaphore, #tpu.memory_space<semaphore_mem>>) src(%dma_wait3A_1252 : memref<8x2048xf32, #tpu.memory_space<hbm>>) dst(%dma_wait3A_1251 : memref<8x2048xf32, #tpu.memory_space<vmem>>)
          "tpu.trace_stop"() : () -> ()
        } else {
        }
        %rem3A_616 = arith.constant 2 : i32
        %rem3A_617 = arith.remui %scan3A_211, %rem3A_616 : i32
        %rem3A_618 = arith.constant 2 : i32
        %rem3A_619 = arith.remui %scan3A_213, %rem3A_618 : i32
        %broadcast_in_dim3A_620 = arith.constant 0.000000e+00 : f32
        "tpu.trace_start"() <{level = 10 : i32, message = "ep_run_kernel"}> : () -> ()
        %broadcast_in_dim3A_621 = vector.broadcast %broadcast_in_dim3A_620 : f32 to vector<16xf32>
        %scan3A_622 = arith.constant 0 : i32
        %scan3A_623 = arith.constant 128 : i32
        %scan3A_624 = arith.addi %scan3A_622, %scan3A_623 : i32
        %scan3A_625 = arith.constant 1 : i32
        %scan3A_626:8 = scf.for %scan3A_1196 = %scan3A_622 to %scan3A_624 step %scan3A_625 iter_args(%scan3A_1197 = %broadcast_in_dim3A_621, %scan3A_1198 = %broadcast_in_dim3A_621, %scan3A_1199 = %broadcast_in_dim3A_621, %scan3A_1200 = %broadcast_in_dim3A_621, %scan3A_1201 = %broadcast_in_dim3A_621, %scan3A_1202 = %broadcast_in_dim3A_621, %scan3A_1203 = %broadcast_in_dim3A_621, %scan3A_1204 = %broadcast_in_dim3A_621) -> (vector<16xf32>, vector<16xf32>, vector<16xf32>, vector<16xf32>, vector<16xf32>, vector<16xf32>, vector<16xf32>, vector<16xf32>)  : i32 {
          %jit3A_1205 = arith.constant 16 : i32
          %div3A_1206 = arith.divsi %scan3A_1196, %jit3A_1205 : i32
          %sign3A_1207 = arith.constant 0 : i32
          %sign3A_1208 = arith.cmpi sgt, %scan3A_1196, %sign3A_1207 : i32
          %sign3A_1209 = arith.extui %sign3A_1208 : i1 to i32
          %sign3A_1210 = arith.constant 0 : i32
          %sign3A_1211 = arith.cmpi slt, %scan3A_1196, %sign3A_1210 : i32
          %sign3A_1212 = arith.extui %sign3A_1211 : i1 to i32
          %sign3A_1213 = arith.subi %sign3A_1209, %sign3A_1212 : i32
          %sign3A_1214 = arith.constant 0 : i32
          %sign3A_1215 = arith.cmpi sgt, %jit3A_1205, %sign3A_1214 : i32
          %sign3A_1216 = arith.extui %sign3A_1215 : i1 to i32
          %sign3A_1217 = arith.constant 0 : i32
          %sign3A_1218 = arith.cmpi slt, %jit3A_1205, %sign3A_1217 : i32
          %sign3A_1219 = arith.extui %sign3A_1218 : i1 to i32
          %sign3A_1220 = arith.subi %sign3A_1216, %sign3A_1219 : i32
          %ne3A_1221 = arith.cmpi ne, %sign3A_1213, %sign3A_1220 : i32
          %rem3A_1222 = arith.remsi %scan3A_1196, %jit3A_1205 : i32
          %ne3A_1223 = arith.constant 0 : i32
          %ne3A_1224 = arith.cmpi ne, %rem3A_1222, %ne3A_1223 : i32
          %and3A_1225 = arith.andi %ne3A_1221, %ne3A_1224 : i1
          %sub3A_1226 = arith.constant 1 : i32
          %sub3A_1227 = arith.subi %div3A_1206, %sub3A_1226 : i32
          %select_n3A_1228 = arith.select %and3A_1225, %sub3A_1227, %div3A_1206 : i32
          %jit3A_1229 = arith.constant 16 : i32
          %eq3A_1230 = arith.constant 0 : i32
          %eq3A_1231 = arith.cmpi eq, %jit3A_1229, %eq3A_1230 : i32
          %jit3A_1232 = arith.constant 1 : i32
          %select_n3A_1233 = arith.select %eq3A_1231, %jit3A_1232, %jit3A_1229 : i32
          %rem3A_1234 = arith.remsi %scan3A_1196, %select_n3A_1233 : i32
          %ne3A_1235 = arith.constant 0 : i32
          %ne3A_1236 = arith.cmpi ne, %rem3A_1234, %ne3A_1235 : i32
          %lt3A_1237 = arith.constant 0 : i32
          %lt3A_1238 = arith.cmpi slt, %rem3A_1234, %lt3A_1237 : i32
          %lt3A_1239 = arith.constant 0 : i32
          %lt3A_1240 = arith.cmpi slt, %select_n3A_1233, %lt3A_1239 : i32
          %ne3A_1241 = arith.xori %lt3A_1238, %lt3A_1240 : i1
          %and3A_1242 = arith.andi %ne3A_1241, %ne3A_1236 : i1
          %add3A_1243 = arith.addi %rem3A_1234, %select_n3A_1233 : i32
          %select_n3A_1244 = arith.select %and3A_1242, %add3A_1243, %rem3A_1234 : i32
          %mul3A_1245 = arith.constant 128 : i32
          %mul3A_1246 = arith.muli %select_n3A_1244, %mul3A_1245 : i32
          %add3A_1247 = arith.constant 0 : i32
          %add3A_1248 = arith.addi %mul3A_1246, %add3A_1247 : i32
          %get3A_1249 = arith.constant 0 : i32
          %get3A_1250 = arith.constant 0 : i32
          %get3A_1251 = tpu.memref_slice %run_scoped3A[%rem3A_617, %get3A_1249, %get3A_1250] : memref<2x8x2048xf32, #tpu.memory_space<vmem>> -> memref<1x8x2048xf32, #tpu.memory_space<vmem>>
          %get3A_1252 = tpu.memref_squeeze %get3A_1251 : memref<1x8x2048xf32, #tpu.memory_space<vmem>> -> memref<8x2048xf32, #tpu.memory_space<vmem>>
          %get3A_1253 = arith.index_cast %select_n3A_1228 : i32 to index
          %get3A_1254 = arith.index_cast %add3A_1248 : i32 to index
          %get3A_1255 = tpu.vector_load %get3A_1252[%get3A_1253, %get3A_1254] {strides = array<i32>} : memref<8x2048xf32, #tpu.memory_space<vmem>>, vector<1x16xf32>,
          %get3A_1256 = vector.shape_cast %get3A_1255 : vector<1x16xf32> to vector<16xf32>
          %add3A_1257 = arith.constant 0 : i32
          %add3A_1258 = arith.addi %mul3A_1246, %add3A_1257 : i32
          %get3A_1259 = arith.constant 0 : i32
          %get3A_1260 = arith.constant 0 : i32
          %get3A_1261 = tpu.memref_slice %run_scoped3A_15[%rem3A_619, %get3A_1259, %get3A_1260] : memref<2x8x2048xf32, #tpu.memory_space<vmem>> -> memref<1x8x2048xf32, #tpu.memory_space<vmem>>
          %get3A_1262 = tpu.memref_squeeze %get3A_1261 : memref<1x8x2048xf32, #tpu.memory_space<vmem>> -> memref<8x2048xf32, #tpu.memory_space<vmem>>
          %get3A_1263 = arith.index_cast %select_n3A_1228 : i32 to index
          %get3A_1264 = arith.index_cast %add3A_1258 : i32 to index
          %get3A_1265 = tpu.vector_load %get3A_1262[%get3A_1263, %get3A_1264] {strides = array<i32>} : memref<8x2048xf32, #tpu.memory_space<vmem>>, vector<1x16xf32>,
          %get3A_1266 = vector.shape_cast %get3A_1265 : vector<1x16xf32> to vector<16xf32>
          %gt3A = arith.constant 0.000000e+00 : f32
          %gt3A_1267 = vector.broadcast %gt3A : f32 to vector<16xf32>
          %gt3A_1268 = arith.cmpf ogt, %get3A_1266, %gt3A_1267 : vector<16xf32>
          %mul3A_1269 = arith.constant -2.000000e+00 : f32
          %mul3A_1270 = vector.broadcast %mul3A_1269 : f32 to vector<16xf32>
          %mul3A_1271 = arith.mulf %mul3A_1270, %get3A_1256 : vector<16xf32>
          %lt3A_1272 = arith.constant 0.000000e+00 : f32
          %lt3A_1273 = vector.broadcast %lt3A_1272 : f32 to vector<16xf32>
          %lt3A_1274 = arith.cmpf olt, %get3A_1266, %lt3A_1273 : vector<16xf32>
          %jit3A_1275 = arith.constant 0.000000e+00 : f32
          %broadcast_in_dim3A_1276 = vector.broadcast %jit3A_1275 : f32 to vector<16xf32>
          %select_n3A_1277 = arith.select %lt3A_1274, %get3A_1256, %broadcast_in_dim3A_1276 : vector<16xi1>, vector<16xf32>
          %select_n3A_1278 = arith.select %gt3A_1268, %mul3A_1271, %select_n3A_1277 : vector<16xi1>, vector<16xf32>
          %add3A_1279 = arith.addf %scan3A_1197, %select_n3A_1278 : vector<16xf32>
          %add3A_1280 = arith.constant 16 : i32
          %add3A_1281 = arith.addi %mul3A_1246, %add3A_1280 : i32
          %get3A_1282 = arith.constant 0 : i32
          %get3A_1283 = arith.constant 0 : i32
          %get3A_1284 = tpu.memref_slice %run_scoped3A[%rem3A_617, %get3A_1282, %get3A_1283] : memref<2x8x2048xf32, #tpu.memory_space<vmem>> -> memref<1x8x2048xf32, #tpu.memory_space<vmem>>
          %get3A_1285 = tpu.memref_squeeze %get3A_1284 : memref<1x8x2048xf32, #tpu.memory_space<vmem>> -> memref<8x2048xf32, #tpu.memory_space<vmem>>
          %get3A_1286 = arith.index_cast %select_n3A_1228 : i32 to index
          %get3A_1287 = arith.index_cast %add3A_1281 : i32 to index
          %get3A_1288 = tpu.vector_load %get3A_1285[%get3A_1286, %get3A_1287] {strides = array<i32>} : memref<8x2048xf32, #tpu.memory_space<vmem>>, vector<1x16xf32>,
          %get3A_1289 = vector.shape_cast %get3A_1288 : vector<1x16xf32> to vector<16xf32>
          %add3A_1290 = arith.constant 16 : i32
          %add3A_1291 = arith.addi %mul3A_1246, %add3A_1290 : i32
          %get3A_1292 = arith.constant 0 : i32
          %get3A_1293 = arith.constant 0 : i32
          %get3A_1294 = tpu.memref_slice %run_scoped3A_15[%rem3A_619, %get3A_1292, %get3A_1293] : memref<2x8x2048xf32, #tpu.memory_space<vmem>> -> memref<1x8x2048xf32, #tpu.memory_space<vmem>>
          %get3A_1295 = tpu.memref_squeeze %get3A_1294 : memref<1x8x2048xf32, #tpu.memory_space<vmem>> -> memref<8x2048xf32, #tpu.memory_space<vmem>>
          %get3A_1296 = arith.index_cast %select_n3A_1228 : i32 to index
          %get3A_1297 = arith.index_cast %add3A_1291 : i32 to index
          %get3A_1298 = tpu.vector_load %get3A_1295[%get3A_1296, %get3A_1297] {strides = array<i32>} : memref<8x2048xf32, #tpu.memory_space<vmem>>, vector<1x16xf32>,
          %get3A_1299 = vector.shape_cast %get3A_1298 : vector<1x16xf32> to vector<16xf32>
          %gt3A_1300 = arith.constant 0.000000e+00 : f32
          %gt3A_1301 = vector.broadcast %gt3A_1300 : f32 to vector<16xf32>
          %gt3A_1302 = arith.cmpf ogt, %get3A_1299, %gt3A_1301 : vector<16xf32>
          %mul3A_1303 = arith.constant -2.000000e+00 : f32
          %mul3A_1304 = vector.broadcast %mul3A_1303 : f32 to vector<16xf32>
          %mul3A_1305 = arith.mulf %mul3A_1304, %get3A_1289 : vector<16xf32>
          %lt3A_1306 = arith.constant 0.000000e+00 : f32
          %lt3A_1307 = vector.broadcast %lt3A_1306 : f32 to vector<16xf32>
          %lt3A_1308 = arith.cmpf olt, %get3A_1299, %lt3A_1307 : vector<16xf32>
          %jit3A_1309 = arith.constant 0.000000e+00 : f32
          %broadcast_in_dim3A_1310 = vector.broadcast %jit3A_1309 : f32 to vector<16xf32>
          %select_n3A_1311 = arith.select %lt3A_1308, %get3A_1289, %broadcast_in_dim3A_1310 : vector<16xi1>, vector<16xf32>
          %select_n3A_1312 = arith.select %gt3A_1302, %mul3A_1305, %select_n3A_1311 : vector<16xi1>, vector<16xf32>
          %add3A_1313 = arith.addf %scan3A_1198, %select_n3A_1312 : vector<16xf32>
          %add3A_1314 = arith.constant 32 : i32
          %add3A_1315 = arith.addi %mul3A_1246, %add3A_1314 : i32
          %get3A_1316 = arith.constant 0 : i32
          %get3A_1317 = arith.constant 0 : i32
          %get3A_1318 = tpu.memref_slice %run_scoped3A[%rem3A_617, %get3A_1316, %get3A_1317] : memref<2x8x2048xf32, #tpu.memory_space<vmem>> -> memref<1x8x2048xf32, #tpu.memory_space<vmem>>
          %get3A_1319 = tpu.memref_squeeze %get3A_1318 : memref<1x8x2048xf32, #tpu.memory_space<vmem>> -> memref<8x2048xf32, #tpu.memory_space<vmem>>
          %get3A_1320 = arith.index_cast %select_n3A_1228 : i32 to index
          %get3A_1321 = arith.index_cast %add3A_1315 : i32 to index
          %get3A_1322 = tpu.vector_load %get3A_1319[%get3A_1320, %get3A_1321] {strides = array<i32>} : memref<8x2048xf32, #tpu.memory_space<vmem>>, vector<1x16xf32>,
          %get3A_1323 = vector.shape_cast %get3A_1322 : vector<1x16xf32> to vector<16xf32>
          %add3A_1324 = arith.constant 32 : i32
          %add3A_1325 = arith.addi %mul3A_1246, %add3A_1324 : i32
          %get3A_1326 = arith.constant 0 : i32
          %get3A_1327 = arith.constant 0 : i32
          %get3A_1328 = tpu.memref_slice %run_scoped3A_15[%rem3A_619, %get3A_1326, %get3A_1327] : memref<2x8x2048xf32, #tpu.memory_space<vmem>> -> memref<1x8x2048xf32, #tpu.memory_space<vmem>>
          %get3A_1329 = tpu.memref_squeeze %get3A_1328 : memref<1x8x2048xf32, #tpu.memory_space<vmem>> -> memref<8x2048xf32, #tpu.memory_space<vmem>>
          %get3A_1330 = arith.index_cast %select_n3A_1228 : i32 to index
          %get3A_1331 = arith.index_cast %add3A_1325 : i32 to index
          %get3A_1332 = tpu.vector_load %get3A_1329[%get3A_1330, %get3A_1331] {strides = array<i32>} : memref<8x2048xf32, #tpu.memory_space<vmem>>, vector<1x16xf32>,
          %get3A_1333 = vector.shape_cast %get3A_1332 : vector<1x16xf32> to vector<16xf32>
          %gt3A_1334 = arith.constant 0.000000e+00 : f32
          %gt3A_1335 = vector.broadcast %gt3A_1334 : f32 to vector<16xf32>
          %gt3A_1336 = arith.cmpf ogt, %get3A_1333, %gt3A_1335 : vector<16xf32>
          %mul3A_1337 = arith.constant -2.000000e+00 : f32
          %mul3A_1338 = vector.broadcast %mul3A_1337 : f32 to vector<16xf32>
          %mul3A_1339 = arith.mulf %mul3A_1338, %get3A_1323 : vector<16xf32>
          %lt3A_1340 = arith.constant 0.000000e+00 : f32
          %lt3A_1341 = vector.broadcast %lt3A_1340 : f32 to vector<16xf32>
          %lt3A_1342 = arith.cmpf olt, %get3A_1333, %lt3A_1341 : vector<16xf32>
          %jit3A_1343 = arith.constant 0.000000e+00 : f32
          %broadcast_in_dim3A_1344 = vector.broadcast %jit3A_1343 : f32 to vector<16xf32>
          %select_n3A_1345 = arith.select %lt3A_1342, %get3A_1323, %broadcast_in_dim3A_1344 : vector<16xi1>, vector<16xf32>
          %select_n3A_1346 = arith.select %gt3A_1336, %mul3A_1339, %select_n3A_1345 : vector<16xi1>, vector<16xf32>
          %add3A_1347 = arith.addf %scan3A_1199, %select_n3A_1346 : vector<16xf32>
          %add3A_1348 = arith.constant 48 : i32
          %add3A_1349 = arith.addi %mul3A_1246, %add3A_1348 : i32
          %get3A_1350 = arith.constant 0 : i32
          %get3A_1351 = arith.constant 0 : i32
          %get3A_1352 = tpu.memref_slice %run_scoped3A[%rem3A_617, %get3A_1350, %get3A_1351] : memref<2x8x2048xf32, #tpu.memory_space<vmem>> -> memref<1x8x2048xf32, #tpu.memory_space<vmem>>
          %get3A_1353 = tpu.memref_squeeze %get3A_1352 : memref<1x8x2048xf32, #tpu.memory_space<vmem>> -> memref<8x2048xf32, #tpu.memory_space<vmem>>
          %get3A_1354 = arith.index_cast %select_n3A_1228 : i32 to index
          %get3A_1355 = arith.index_cast %add3A_1349 : i32 to index
          %get3A_1356 = tpu.vector_load %get3A_1353[%get3A_1354, %get3A_1355] {strides = array<i32>} : memref<8x2048xf32, #tpu.memory_space<vmem>>, vector<1x16xf32>,
          %get3A_1357 = vector.shape_cast %get3A_1356 : vector<1x16xf32> to vector<16xf32>
          %add3A_1358 = arith.constant 48 : i32
          %add3A_1359 = arith.addi %mul3A_1246, %add3A_1358 : i32
          %get3A_1360 = arith.constant 0 : i32
          %get3A_1361 = arith.constant 0 : i32
          %get3A_1362 = tpu.memref_slice %run_scoped3A_15[%rem3A_619, %get3A_1360, %get3A_1361] : memref<2x8x2048xf32, #tpu.memory_space<vmem>> -> memref<1x8x2048xf32, #tpu.memory_space<vmem>>
          %get3A_1363 = tpu.memref_squeeze %get3A_1362 : memref<1x8x2048xf32, #tpu.memory_space<vmem>> -> memref<8x2048xf32, #tpu.memory_space<vmem>>
          %get3A_1364 = arith.index_cast %select_n3A_1228 : i32 to index
          %get3A_1365 = arith.index_cast %add3A_1359 : i32 to index
          %get3A_1366 = tpu.vector_load %get3A_1363[%get3A_1364, %get3A_1365] {strides = array<i32>} : memref<8x2048xf32, #tpu.memory_space<vmem>>, vector<1x16xf32>,
          %get3A_1367 = vector.shape_cast %get3A_1366 : vector<1x16xf32> to vector<16xf32>
          %gt3A_1368 = arith.constant 0.000000e+00 : f32
          %gt3A_1369 = vector.broadcast %gt3A_1368 : f32 to vector<16xf32>
          %gt3A_1370 = arith.cmpf ogt, %get3A_1367, %gt3A_1369 : vector<16xf32>
          %mul3A_1371 = arith.constant -2.000000e+00 : f32
          %mul3A_1372 = vector.broadcast %mul3A_1371 : f32 to vector<16xf32>
          %mul3A_1373 = arith.mulf %mul3A_1372, %get3A_1357 : vector<16xf32>
          %lt3A_1374 = arith.constant 0.000000e+00 : f32
          %lt3A_1375 = vector.broadcast %lt3A_1374 : f32 to vector<16xf32>
          %lt3A_1376 = arith.cmpf olt, %get3A_1367, %lt3A_1375 : vector<16xf32>
          %jit3A_1377 = arith.constant 0.000000e+00 : f32
          %broadcast_in_dim3A_1378 = vector.broadcast %jit3A_1377 : f32 to vector<16xf32>
          %select_n3A_1379 = arith.select %lt3A_1376, %get3A_1357, %broadcast_in_dim3A_1378 : vector<16xi1>, vector<16xf32>
          %select_n3A_1380 = arith.select %gt3A_1370, %mul3A_1373, %select_n3A_1379 : vector<16xi1>, vector<16xf32>
          %add3A_1381 = arith.addf %scan3A_1200, %select_n3A_1380 : vector<16xf32>
          %add3A_1382 = arith.constant 64 : i32
          %add3A_1383 = arith.addi %mul3A_1246, %add3A_1382 : i32
          %get3A_1384 = arith.constant 0 : i32
          %get3A_1385 = arith.constant 0 : i32
          %get3A_1386 = tpu.memref_slice %run_scoped3A[%rem3A_617, %get3A_1384, %get3A_1385] : memref<2x8x2048xf32, #tpu.memory_space<vmem>> -> memref<1x8x2048xf32, #tpu.memory_space<vmem>>
          %get3A_1387 = tpu.memref_squeeze %get3A_1386 : memref<1x8x2048xf32, #tpu.memory_space<vmem>> -> memref<8x2048xf32, #tpu.memory_space<vmem>>
          %get3A_1388 = arith.index_cast %select_n3A_1228 : i32 to index
          %get3A_1389 = arith.index_cast %add3A_1383 : i32 to index
          %get3A_1390 = tpu.vector_load %get3A_1387[%get3A_1388, %get3A_1389] {strides = array<i32>} : memref<8x2048xf32, #tpu.memory_space<vmem>>, vector<1x16xf32>,
          %get3A_1391 = vector.shape_cast %get3A_1390 : vector<1x16xf32> to vector<16xf32>
          %add3A_1392 = arith.constant 64 : i32
          %add3A_1393 = arith.addi %mul3A_1246, %add3A_1392 : i32
          %get3A_1394 = arith.constant 0 : i32
          %get3A_1395 = arith.constant 0 : i32
          %get3A_1396 = tpu.memref_slice %run_scoped3A_15[%rem3A_619, %get3A_1394, %get3A_1395] : memref<2x8x2048xf32, #tpu.memory_space<vmem>> -> memref<1x8x2048xf32, #tpu.memory_space<vmem>>
          %get3A_1397 = tpu.memref_squeeze %get3A_1396 : memref<1x8x2048xf32, #tpu.memory_space<vmem>> -> memref<8x2048xf32, #tpu.memory_space<vmem>>
          %get3A_1398 = arith.index_cast %select_n3A_1228 : i32 to index
          %get3A_1399 = arith.index_cast %add3A_1393 : i32 to index
          %get3A_1400 = tpu.vector_load %get3A_1397[%get3A_1398, %get3A_1399] {strides = array<i32>} : memref<8x2048xf32, #tpu.memory_space<vmem>>, vector<1x16xf32>,
          %get3A_1401 = vector.shape_cast %get3A_1400 : vector<1x16xf32> to vector<16xf32>
          %gt3A_1402 = arith.constant 0.000000e+00 : f32
          %gt3A_1403 = vector.broadcast %gt3A_1402 : f32 to vector<16xf32>
          %gt3A_1404 = arith.cmpf ogt, %get3A_1401, %gt3A_1403 : vector<16xf32>
          %mul3A_1405 = arith.constant -2.000000e+00 : f32
          %mul3A_1406 = vector.broadcast %mul3A_1405 : f32 to vector<16xf32>
          %mul3A_1407 = arith.mulf %mul3A_1406, %get3A_1391 : vector<16xf32>
          %lt3A_1408 = arith.constant 0.000000e+00 : f32
          %lt3A_1409 = vector.broadcast %lt3A_1408 : f32 to vector<16xf32>
          %lt3A_1410 = arith.cmpf olt, %get3A_1401, %lt3A_1409 : vector<16xf32>
          %jit3A_1411 = arith.constant 0.000000e+00 : f32
          %broadcast_in_dim3A_1412 = vector.broadcast %jit3A_1411 : f32 to vector<16xf32>
          %select_n3A_1413 = arith.select %lt3A_1410, %get3A_1391, %broadcast_in_dim3A_1412 : vector<16xi1>, vector<16xf32>
          %select_n3A_1414 = arith.select %gt3A_1404, %mul3A_1407, %select_n3A_1413 : vector<16xi1>, vector<16xf32>
          %add3A_1415 = arith.addf %scan3A_1201, %select_n3A_1414 : vector<16xf32>
          %add3A_1416 = arith.constant 80 : i32
          %add3A_1417 = arith.addi %mul3A_1246, %add3A_1416 : i32
          %get3A_1418 = arith.constant 0 : i32
          %get3A_1419 = arith.constant 0 : i32
          %get3A_1420 = tpu.memref_slice %run_scoped3A[%rem3A_617, %get3A_1418, %get3A_1419] : memref<2x8x2048xf32, #tpu.memory_space<vmem>> -> memref<1x8x2048xf32, #tpu.memory_space<vmem>>
          %get3A_1421 = tpu.memref_squeeze %get3A_1420 : memref<1x8x2048xf32, #tpu.memory_space<vmem>> -> memref<8x2048xf32, #tpu.memory_space<vmem>>
          %get3A_1422 = arith.index_cast %select_n3A_1228 : i32 to index
          %get3A_1423 = arith.index_cast %add3A_1417 : i32 to index
          %get3A_1424 = tpu.vector_load %get3A_1421[%get3A_1422, %get3A_1423] {strides = array<i32>} : memref<8x2048xf32, #tpu.memory_space<vmem>>, vector<1x16xf32>,
          %get3A_1425 = vector.shape_cast %get3A_1424 : vector<1x16xf32> to vector<16xf32>
          %add3A_1426 = arith.constant 80 : i32
          %add3A_1427 = arith.addi %mul3A_1246, %add3A_1426 : i32
          %get3A_1428 = arith.constant 0 : i32
          %get3A_1429 = arith.constant 0 : i32
          %get3A_1430 = tpu.memref_slice %run_scoped3A_15[%rem3A_619, %get3A_1428, %get3A_1429] : memref<2x8x2048xf32, #tpu.memory_space<vmem>> -> memref<1x8x2048xf32, #tpu.memory_space<vmem>>
          %get3A_1431 = tpu.memref_squeeze %get3A_1430 : memref<1x8x2048xf32, #tpu.memory_space<vmem>> -> memref<8x2048xf32, #tpu.memory_space<vmem>>
          %get3A_1432 = arith.index_cast %select_n3A_1228 : i32 to index
          %get3A_1433 = arith.index_cast %add3A_1427 : i32 to index
          %get3A_1434 = tpu.vector_load %get3A_1431[%get3A_1432, %get3A_1433] {strides = array<i32>} : memref<8x2048xf32, #tpu.memory_space<vmem>>, vector<1x16xf32>,
          %get3A_1435 = vector.shape_cast %get3A_1434 : vector<1x16xf32> to vector<16xf32>
          %gt3A_1436 = arith.constant 0.000000e+00 : f32
          %gt3A_1437 = vector.broadcast %gt3A_1436 : f32 to vector<16xf32>
          %gt3A_1438 = arith.cmpf ogt, %get3A_1435, %gt3A_1437 : vector<16xf32>
          %mul3A_1439 = arith.constant -2.000000e+00 : f32
          %mul3A_1440 = vector.broadcast %mul3A_1439 : f32 to vector<16xf32>
          %mul3A_1441 = arith.mulf %mul3A_1440, %get3A_1425 : vector<16xf32>
          %lt3A_1442 = arith.constant 0.000000e+00 : f32
          %lt3A_1443 = vector.broadcast %lt3A_1442 : f32 to vector<16xf32>
          %lt3A_1444 = arith.cmpf olt, %get3A_1435, %lt3A_1443 : vector<16xf32>
          %jit3A_1445 = arith.constant 0.000000e+00 : f32
          %broadcast_in_dim3A_1446 = vector.broadcast %jit3A_1445 : f32 to vector<16xf32>
          %select_n3A_1447 = arith.select %lt3A_1444, %get3A_1425, %broadcast_in_dim3A_1446 : vector<16xi1>, vector<16xf32>
          %select_n3A_1448 = arith.select %gt3A_1438, %mul3A_1441, %select_n3A_1447 : vector<16xi1>, vector<16xf32>
          %add3A_1449 = arith.addf %scan3A_1202, %select_n3A_1448 : vector<16xf32>
          %add3A_1450 = arith.constant 96 : i32
          %add3A_1451 = arith.addi %mul3A_1246, %add3A_1450 : i32
          %get3A_1452 = arith.constant 0 : i32
          %get3A_1453 = arith.constant 0 : i32
          %get3A_1454 = tpu.memref_slice %run_scoped3A[%rem3A_617, %get3A_1452, %get3A_1453] : memref<2x8x2048xf32, #tpu.memory_space<vmem>> -> memref<1x8x2048xf32, #tpu.memory_space<vmem>>
          %get3A_1455 = tpu.memref_squeeze %get3A_1454 : memref<1x8x2048xf32, #tpu.memory_space<vmem>> -> memref<8x2048xf32, #tpu.memory_space<vmem>>
          %get3A_1456 = arith.index_cast %select_n3A_1228 : i32 to index
          %get3A_1457 = arith.index_cast %add3A_1451 : i32 to index
          %get3A_1458 = tpu.vector_load %get3A_1455[%get3A_1456, %get3A_1457] {strides = array<i32>} : memref<8x2048xf32, #tpu.memory_space<vmem>>, vector<1x16xf32>,
          %get3A_1459 = vector.shape_cast %get3A_1458 : vector<1x16xf32> to vector<16xf32>
          %add3A_1460 = arith.constant 96 : i32
          %add3A_1461 = arith.addi %mul3A_1246, %add3A_1460 : i32
          %get3A_1462 = arith.constant 0 : i32
          %get3A_1463 = arith.constant 0 : i32
          %get3A_1464 = tpu.memref_slice %run_scoped3A_15[%rem3A_619, %get3A_1462, %get3A_1463] : memref<2x8x2048xf32, #tpu.memory_space<vmem>> -> memref<1x8x2048xf32, #tpu.memory_space<vmem>>
          %get3A_1465 = tpu.memref_squeeze %get3A_1464 : memref<1x8x2048xf32, #tpu.memory_space<vmem>> -> memref<8x2048xf32, #tpu.memory_space<vmem>>
          %get3A_1466 = arith.index_cast %select_n3A_1228 : i32 to index
          %get3A_1467 = arith.index_cast %add3A_1461 : i32 to index
          %get3A_1468 = tpu.vector_load %get3A_1465[%get3A_1466, %get3A_1467] {strides = array<i32>} : memref<8x2048xf32, #tpu.memory_space<vmem>>, vector<1x16xf32>,
          %get3A_1469 = vector.shape_cast %get3A_1468 : vector<1x16xf32> to vector<16xf32>
          %gt3A_1470 = arith.constant 0.000000e+00 : f32
          %gt3A_1471 = vector.broadcast %gt3A_1470 : f32 to vector<16xf32>
          %gt3A_1472 = arith.cmpf ogt, %get3A_1469, %gt3A_1471 : vector<16xf32>
          %mul3A_1473 = arith.constant -2.000000e+00 : f32
          %mul3A_1474 = vector.broadcast %mul3A_1473 : f32 to vector<16xf32>
          %mul3A_1475 = arith.mulf %mul3A_1474, %get3A_1459 : vector<16xf32>
          %lt3A_1476 = arith.constant 0.000000e+00 : f32
          %lt3A_1477 = vector.broadcast %lt3A_1476 : f32 to vector<16xf32>
          %lt3A_1478 = arith.cmpf olt, %get3A_1469, %lt3A_1477 : vector<16xf32>
          %jit3A_1479 = arith.constant 0.000000e+00 : f32
          %broadcast_in_dim3A_1480 = vector.broadcast %jit3A_1479 : f32 to vector<16xf32>
          %select_n3A_1481 = arith.select %lt3A_1478, %get3A_1459, %broadcast_in_dim3A_1480 : vector<16xi1>, vector<16xf32>
          %select_n3A_1482 = arith.select %gt3A_1472, %mul3A_1475, %select_n3A_1481 : vector<16xi1>, vector<16xf32>
          %add3A_1483 = arith.addf %scan3A_1203, %select_n3A_1482 : vector<16xf32>
          %add3A_1484 = arith.constant 112 : i32
          %add3A_1485 = arith.addi %mul3A_1246, %add3A_1484 : i32
          %get3A_1486 = arith.constant 0 : i32
          %get3A_1487 = arith.constant 0 : i32
          %get3A_1488 = tpu.memref_slice %run_scoped3A[%rem3A_617, %get3A_1486, %get3A_1487] : memref<2x8x2048xf32, #tpu.memory_space<vmem>> -> memref<1x8x2048xf32, #tpu.memory_space<vmem>>
          %get3A_1489 = tpu.memref_squeeze %get3A_1488 : memref<1x8x2048xf32, #tpu.memory_space<vmem>> -> memref<8x2048xf32, #tpu.memory_space<vmem>>
          %get3A_1490 = arith.index_cast %select_n3A_1228 : i32 to index
          %get3A_1491 = arith.index_cast %add3A_1485 : i32 to index
          %get3A_1492 = tpu.vector_load %get3A_1489[%get3A_1490, %get3A_1491] {strides = array<i32>} : memref<8x2048xf32, #tpu.memory_space<vmem>>, vector<1x16xf32>,
          %get3A_1493 = vector.shape_cast %get3A_1492 : vector<1x16xf32> to vector<16xf32>
          %add3A_1494 = arith.constant 112 : i32
          %add3A_1495 = arith.addi %mul3A_1246, %add3A_1494 : i32
          %get3A_1496 = arith.constant 0 : i32
          %get3A_1497 = arith.constant 0 : i32
          %get3A_1498 = tpu.memref_slice %run_scoped3A_15[%rem3A_619, %get3A_1496, %get3A_1497] : memref<2x8x2048xf32, #tpu.memory_space<vmem>> -> memref<1x8x2048xf32, #tpu.memory_space<vmem>>
          %get3A_1499 = tpu.memref_squeeze %get3A_1498 : memref<1x8x2048xf32, #tpu.memory_space<vmem>> -> memref<8x2048xf32, #tpu.memory_space<vmem>>
          %get3A_1500 = arith.index_cast %select_n3A_1228 : i32 to index
          %get3A_1501 = arith.index_cast %add3A_1495 : i32 to index
          %get3A_1502 = tpu.vector_load %get3A_1499[%get3A_1500, %get3A_1501] {strides = array<i32>} : memref<8x2048xf32, #tpu.memory_space<vmem>>, vector<1x16xf32>,
          %get3A_1503 = vector.shape_cast %get3A_1502 : vector<1x16xf32> to vector<16xf32>
          %gt3A_1504 = arith.constant 0.000000e+00 : f32
          %gt3A_1505 = vector.broadcast %gt3A_1504 : f32 to vector<16xf32>
          %gt3A_1506 = arith.cmpf ogt, %get3A_1503, %gt3A_1505 : vector<16xf32>
          %mul3A_1507 = arith.constant -2.000000e+00 : f32
          %mul3A_1508 = vector.broadcast %mul3A_1507 : f32 to vector<16xf32>
          %mul3A_1509 = arith.mulf %mul3A_1508, %get3A_1493 : vector<16xf32>
          %lt3A_1510 = arith.constant 0.000000e+00 : f32
          %lt3A_1511 = vector.broadcast %lt3A_1510 : f32 to vector<16xf32>
          %lt3A_1512 = arith.cmpf olt, %get3A_1503, %lt3A_1511 : vector<16xf32>
          %jit3A_1513 = arith.constant 0.000000e+00 : f32
          %broadcast_in_dim3A_1514 = vector.broadcast %jit3A_1513 : f32 to vector<16xf32>
          %select_n3A_1515 = arith.select %lt3A_1512, %get3A_1493, %broadcast_in_dim3A_1514 : vector<16xi1>, vector<16xf32>
          %select_n3A_1516 = arith.select %gt3A_1506, %mul3A_1509, %select_n3A_1515 : vector<16xi1>, vector<16xf32>
          %add3A_1517 = arith.addf %scan3A_1204, %select_n3A_1516 : vector<16xf32>
          scf.yield %add3A_1279, %add3A_1313, %add3A_1347, %add3A_1381, %add3A_1415, %add3A_1449, %add3A_1483, %add3A_1517 : vector<16xf32>, vector<16xf32>, vector<16xf32>, vector<16xf32>, vector<16xf32>, vector<16xf32>, vector<16xf32>, vector<16xf32>
        }
        %scan3A_627 = arith.constant 128 : i32
        %add3A_628 = arith.addf %scan3A_626#0, %scan3A_626#1 : vector<16xf32>
        %add3A_629 = arith.addf %add3A_628, %scan3A_626#2 : vector<16xf32>
        %add3A_630 = arith.addf %add3A_629, %scan3A_626#3 : vector<16xf32>
        %add3A_631 = arith.addf %add3A_630, %scan3A_626#4 : vector<16xf32>
        %add3A_632 = arith.addf %add3A_631, %scan3A_626#5 : vector<16xf32>
        %add3A_633 = arith.addf %add3A_632, %scan3A_626#6 : vector<16xf32>
        %add3A_634 = arith.addf %add3A_633, %scan3A_626#7 : vector<16xf32>
        %get3A = arith.constant 0 : index
        %get3A_635 = tpu.vector_load %arg5[%get3A] {strides = array<i32>} : memref<16xf32, #tpu.memory_space<vmem>>, vector<16xf32>,
        %get3A_636 = vector.shape_cast %get3A_635 : vector<16xf32> to vector<16xf32>
        %add3A_637 = arith.addf %get3A_636, %add3A_634 : vector<16xf32>
        %swap3A_638 = arith.constant 0 : index
        %swap3A_639 = tpu.vector_load %arg5[%swap3A_638] {strides = array<i32>} : memref<16xf32, #tpu.memory_space<vmem>>, vector<16xf32>,
        %swap3A_640 = vector.shape_cast %swap3A_639 : vector<16xf32> to vector<16xf32>
        %swap3A_641 = vector.shape_cast %add3A_637 : vector<16xf32> to vector<16xf32>
        tpu.vector_store %arg5[%swap3A_638], %swap3A_641 {strides = array<i32>} : memref<16xf32, #tpu.memory_space<vmem>>, vector<16xf32>,
        %jit3A_642 = arith.constant 16 : i32
        "tpu.trace_stop"() : () -> ()
        %div3A_643 = arith.divsi %add3A_219, %jit3A_642 : i32
        %sign3A_644 = arith.constant 0 : i32
        %sign3A_645 = arith.cmpi sgt, %add3A_219, %sign3A_644 : i32
        %sign3A_646 = arith.extui %sign3A_645 : i1 to i32
        %sign3A_647 = arith.constant 0 : i32
        %sign3A_648 = arith.cmpi slt, %add3A_219, %sign3A_647 : i32
        %sign3A_649 = arith.extui %sign3A_648 : i1 to i32
        %sign3A_650 = arith.subi %sign3A_646, %sign3A_649 : i32
        %sign3A_651 = arith.constant 0 : i32
        %sign3A_652 = arith.cmpi sgt, %jit3A_642, %sign3A_651 : i32
        %sign3A_653 = arith.extui %sign3A_652 : i1 to i32
        %sign3A_654 = arith.constant 0 : i32
        %sign3A_655 = arith.cmpi slt, %jit3A_642, %sign3A_654 : i32
        %sign3A_656 = arith.extui %sign3A_655 : i1 to i32
        %sign3A_657 = arith.subi %sign3A_653, %sign3A_656 : i32
        %ne3A_658 = arith.cmpi ne, %sign3A_650, %sign3A_657 : i32
        %rem3A_659 = arith.remsi %add3A_219, %jit3A_642 : i32
        %ne3A_660 = arith.constant 0 : i32
        %ne3A_661 = arith.cmpi ne, %rem3A_659, %ne3A_660 : i32
        %and3A_662 = arith.andi %ne3A_658, %ne3A_661 : i1
        %sub3A_663 = arith.constant 1 : i32
        %sub3A_664 = arith.subi %div3A_643, %sub3A_663 : i32
        %select_n3A_665 = arith.select %and3A_662, %sub3A_664, %div3A_643 : i32
        %jit3A_666 = arith.constant 16 : i32
        %eq3A_667 = arith.constant 0 : i32
        %eq3A_668 = arith.cmpi eq, %jit3A_666, %eq3A_667 : i32
        %jit3A_669 = arith.constant 1 : i32
        %select_n3A_670 = arith.select %eq3A_668, %jit3A_669, %jit3A_666 : i32
        %rem3A_671 = arith.remsi %add3A_219, %select_n3A_670 : i32
        %ne3A_672 = arith.constant 0 : i32
        %ne3A_673 = arith.cmpi ne, %rem3A_671, %ne3A_672 : i32
        %lt3A_674 = arith.constant 0 : i32
        %lt3A_675 = arith.cmpi slt, %rem3A_671, %lt3A_674 : i32
        %lt3A_676 = arith.constant 0 : i32
        %lt3A_677 = arith.cmpi slt, %select_n3A_670, %lt3A_676 : i32
        %ne3A_678 = arith.xori %lt3A_675, %lt3A_677 : i1
        %and3A_679 = arith.andi %ne3A_678, %ne3A_673 : i1
        %add3A_680 = arith.addi %rem3A_671, %select_n3A_670 : i32
        %select_n3A_681 = arith.select %and3A_679, %add3A_680, %rem3A_671 : i32
        %jit3A_682 = arith.constant 16 : i32
        %div3A_683 = arith.divsi %add3A_237, %jit3A_682 : i32
        %sign3A_684 = arith.constant 0 : i32
        %sign3A_685 = arith.cmpi sgt, %add3A_237, %sign3A_684 : i32
        %sign3A_686 = arith.extui %sign3A_685 : i1 to i32
        %sign3A_687 = arith.constant 0 : i32
        %sign3A_688 = arith.cmpi slt, %add3A_237, %sign3A_687 : i32
        %sign3A_689 = arith.extui %sign3A_688 : i1 to i32
        %sign3A_690 = arith.subi %sign3A_686, %sign3A_689 : i32
        %sign3A_691 = arith.constant 0 : i32
        %sign3A_692 = arith.cmpi sgt, %jit3A_682, %sign3A_691 : i32
        %sign3A_693 = arith.extui %sign3A_692 : i1 to i32
        %sign3A_694 = arith.constant 0 : i32
        %sign3A_695 = arith.cmpi slt, %jit3A_682, %sign3A_694 : i32
        %sign3A_696 = arith.extui %sign3A_695 : i1 to i32
        %sign3A_697 = arith.subi %sign3A_693, %sign3A_696 : i32
        %ne3A_698 = arith.cmpi ne, %sign3A_690, %sign3A_697 : i32
        %rem3A_699 = arith.remsi %add3A_237, %jit3A_682 : i32
        %ne3A_700 = arith.constant 0 : i32
        %ne3A_701 = arith.cmpi ne, %rem3A_699, %ne3A_700 : i32
        %and3A_702 = arith.andi %ne3A_698, %ne3A_701 : i1
        %sub3A_703 = arith.constant 1 : i32
        %sub3A_704 = arith.subi %div3A_683, %sub3A_703 : i32
        %select_n3A_705 = arith.select %and3A_702, %sub3A_704, %div3A_683 : i32
        %jit3A_706 = arith.constant 16 : i32
        %eq3A_707 = arith.constant 0 : i32
        %eq3A_708 = arith.cmpi eq, %jit3A_706, %eq3A_707 : i32
        %jit3A_709 = arith.constant 1 : i32
        %select_n3A_710 = arith.select %eq3A_708, %jit3A_709, %jit3A_706 : i32
        %rem3A_711 = arith.remsi %add3A_237, %select_n3A_710 : i32
        %ne3A_712 = arith.constant 0 : i32
        %ne3A_713 = arith.cmpi ne, %rem3A_711, %ne3A_712 : i32
        %lt3A_714 = arith.constant 0 : i32
        %lt3A_715 = arith.cmpi slt, %rem3A_711, %lt3A_714 : i32
        %lt3A_716 = arith.constant 0 : i32
        %lt3A_717 = arith.cmpi slt, %select_n3A_710, %lt3A_716 : i32
        %ne3A_718 = arith.xori %lt3A_715, %lt3A_717 : i1
        %and3A_719 = arith.andi %ne3A_718, %ne3A_713 : i1
        %add3A_720 = arith.addi %rem3A_711, %select_n3A_710 : i32
        %select_n3A_721 = arith.select %and3A_719, %add3A_720, %rem3A_711 : i32
        %ne3A_722 = arith.cmpi ne, %select_n3A_665, %select_n3A_705 : i32
        %ne3A_723 = arith.cmpi ne, %select_n3A_681, %select_n3A_721 : i32
        %or3A_724 = arith.constant false
        %or3A_725 = arith.ori %or3A_724, %ne3A_722 : i1
        %or3A_726 = arith.ori %or3A_725, %ne3A_723 : i1
        %or3A_727 = arith.ori %or3A_726, %eq3A_218 : i1
        %convert_element_type3A_728 = arith.extui %or3A_727 : i1 to i32
        %cond3A_729 = arith.constant 0 : i32
        %cond3A_730 = arith.cmpi ne, %convert_element_type3A_728, %cond3A_729 : i32
        scf.if %cond3A_730 {
        } else {
        }
        %and3A_731 = arith.constant false
        %and3A_732 = arith.andi %or3A_727, %and3A_731 : i1
        %jit3A_733 = arith.constant 16 : i32
        %div3A_734 = arith.divsi %add3A_219, %jit3A_733 : i32
        %sign3A_735 = arith.constant 0 : i32
        %sign3A_736 = arith.cmpi sgt, %add3A_219, %sign3A_735 : i32
        %sign3A_737 = arith.extui %sign3A_736 : i1 to i32
        %sign3A_738 = arith.constant 0 : i32
        %sign3A_739 = arith.cmpi slt, %add3A_219, %sign3A_738 : i32
        %sign3A_740 = arith.extui %sign3A_739 : i1 to i32
        %sign3A_741 = arith.subi %sign3A_737, %sign3A_740 : i32
        %sign3A_742 = arith.constant 0 : i32
        %sign3A_743 = arith.cmpi sgt, %jit3A_733, %sign3A_742 : i32
        %sign3A_744 = arith.extui %sign3A_743 : i1 to i32
        %sign3A_745 = arith.constant 0 : i32
        %sign3A_746 = arith.cmpi slt, %jit3A_733, %sign3A_745 : i32
        %sign3A_747 = arith.extui %sign3A_746 : i1 to i32
        %sign3A_748 = arith.subi %sign3A_744, %sign3A_747 : i32
        %ne3A_749 = arith.cmpi ne, %sign3A_741, %sign3A_748 : i32
        %rem3A_750 = arith.remsi %add3A_219, %jit3A_733 : i32
        %ne3A_751 = arith.constant 0 : i32
        %ne3A_752 = arith.cmpi ne, %rem3A_750, %ne3A_751 : i32
        %and3A_753 = arith.andi %ne3A_749, %ne3A_752 : i1
        %sub3A_754 = arith.constant 1 : i32
        %sub3A_755 = arith.subi %div3A_734, %sub3A_754 : i32
        %select_n3A_756 = arith.select %and3A_753, %sub3A_755, %div3A_734 : i32
        %jit3A_757 = arith.constant 16 : i32
        %eq3A_758 = arith.constant 0 : i32
        %eq3A_759 = arith.cmpi eq, %jit3A_757, %eq3A_758 : i32
        %jit3A_760 = arith.constant 1 : i32
        %select_n3A_761 = arith.select %eq3A_759, %jit3A_760, %jit3A_757 : i32
        %rem3A_762 = arith.remsi %add3A_219, %select_n3A_761 : i32
        %ne3A_763 = arith.constant 0 : i32
        %ne3A_764 = arith.cmpi ne, %rem3A_762, %ne3A_763 : i32
        %lt3A_765 = arith.constant 0 : i32
        %lt3A_766 = arith.cmpi slt, %rem3A_762, %lt3A_765 : i32
        %lt3A_767 = arith.constant 0 : i32
        %lt3A_768 = arith.cmpi slt, %select_n3A_761, %lt3A_767 : i32
        %ne3A_769 = arith.xori %lt3A_766, %lt3A_768 : i1
        %and3A_770 = arith.andi %ne3A_769, %ne3A_764 : i1
        %add3A_771 = arith.addi %rem3A_762, %select_n3A_761 : i32
        %select_n3A_772 = arith.select %and3A_770, %add3A_771, %rem3A_762 : i32
        %jit3A_773 = arith.constant 16 : i32
        %div3A_774 = arith.divsi %add3A_237, %jit3A_773 : i32
        %sign3A_775 = arith.constant 0 : i32
        %sign3A_776 = arith.cmpi sgt, %add3A_237, %sign3A_775 : i32
        %sign3A_777 = arith.extui %sign3A_776 : i1 to i32
        %sign3A_778 = arith.constant 0 : i32
        %sign3A_779 = arith.cmpi slt, %add3A_237, %sign3A_778 : i32
        %sign3A_780 = arith.extui %sign3A_779 : i1 to i32
        %sign3A_781 = arith.subi %sign3A_777, %sign3A_780 : i32
        %sign3A_782 = arith.constant 0 : i32
        %sign3A_783 = arith.cmpi sgt, %jit3A_773, %sign3A_782 : i32
        %sign3A_784 = arith.extui %sign3A_783 : i1 to i32
        %sign3A_785 = arith.constant 0 : i32
        %sign3A_786 = arith.cmpi slt, %jit3A_773, %sign3A_785 : i32
        %sign3A_787 = arith.extui %sign3A_786 : i1 to i32
        %sign3A_788 = arith.subi %sign3A_784, %sign3A_787 : i32
        %ne3A_789 = arith.cmpi ne, %sign3A_781, %sign3A_788 : i32
        %rem3A_790 = arith.remsi %add3A_237, %jit3A_773 : i32
        %ne3A_791 = arith.constant 0 : i32
        %ne3A_792 = arith.cmpi ne, %rem3A_790, %ne3A_791 : i32
        %and3A_793 = arith.andi %ne3A_789, %ne3A_792 : i1
        %sub3A_794 = arith.constant 1 : i32
        %sub3A_795 = arith.subi %div3A_774, %sub3A_794 : i32
        %select_n3A_796 = arith.select %and3A_793, %sub3A_795, %div3A_774 : i32
        %jit3A_797 = arith.constant 16 : i32
        %eq3A_798 = arith.constant 0 : i32
        %eq3A_799 = arith.cmpi eq, %jit3A_797, %eq3A_798 : i32
        %jit3A_800 = arith.constant 1 : i32
        %select_n3A_801 = arith.select %eq3A_799, %jit3A_800, %jit3A_797 : i32
        %rem3A_802 = arith.remsi %add3A_237, %select_n3A_801 : i32
        %ne3A_803 = arith.constant 0 : i32
        %ne3A_804 = arith.cmpi ne, %rem3A_802, %ne3A_803 : i32
        %lt3A_805 = arith.constant 0 : i32
        %lt3A_806 = arith.cmpi slt, %rem3A_802, %lt3A_805 : i32
        %lt3A_807 = arith.constant 0 : i32
        %lt3A_808 = arith.cmpi slt, %select_n3A_801, %lt3A_807 : i32
        %ne3A_809 = arith.xori %lt3A_806, %lt3A_808 : i1
        %and3A_810 = arith.andi %ne3A_809, %ne3A_804 : i1
        %add3A_811 = arith.addi %rem3A_802, %select_n3A_801 : i32
        %select_n3A_812 = arith.select %and3A_810, %add3A_811, %rem3A_802 : i32
        %ne3A_813 = arith.cmpi ne, %select_n3A_756, %select_n3A_796 : i32
        %ne3A_814 = arith.cmpi ne, %select_n3A_772, %select_n3A_812 : i32
        %or3A_815 = arith.constant false
        %or3A_816 = arith.ori %or3A_815, %ne3A_813 : i1
        %or3A_817 = arith.ori %or3A_816, %ne3A_814 : i1
        %or3A_818 = arith.ori %or3A_817, %eq3A_218 : i1
        %convert_element_type3A_819 = arith.extui %or3A_818 : i1 to i32
        %cond3A_820 = arith.constant 0 : i32
        %cond3A_821 = arith.cmpi ne, %convert_element_type3A_819, %cond3A_820 : i32
        scf.if %cond3A_821 {
        } else {
        }
        %and3A_822 = arith.constant false
        %and3A_823 = arith.andi %or3A_818, %and3A_822 : i1
        %jit3A_824 = arith.constant 16 : i32
        %div3A_825 = arith.divsi %add3A_219, %jit3A_824 : i32
        %sign3A_826 = arith.constant 0 : i32
        %sign3A_827 = arith.cmpi sgt, %add3A_219, %sign3A_826 : i32
        %sign3A_828 = arith.extui %sign3A_827 : i1 to i32
        %sign3A_829 = arith.constant 0 : i32
        %sign3A_830 = arith.cmpi slt, %add3A_219, %sign3A_829 : i32
        %sign3A_831 = arith.extui %sign3A_830 : i1 to i32
        %sign3A_832 = arith.subi %sign3A_828, %sign3A_831 : i32
        %sign3A_833 = arith.constant 0 : i32
        %sign3A_834 = arith.cmpi sgt, %jit3A_824, %sign3A_833 : i32
        %sign3A_835 = arith.extui %sign3A_834 : i1 to i32
        %sign3A_836 = arith.constant 0 : i32
        %sign3A_837 = arith.cmpi slt, %jit3A_824, %sign3A_836 : i32
        %sign3A_838 = arith.extui %sign3A_837 : i1 to i32
        %sign3A_839 = arith.subi %sign3A_835, %sign3A_838 : i32
        %ne3A_840 = arith.cmpi ne, %sign3A_832, %sign3A_839 : i32
        %rem3A_841 = arith.remsi %add3A_219, %jit3A_824 : i32
        %ne3A_842 = arith.constant 0 : i32
        %ne3A_843 = arith.cmpi ne, %rem3A_841, %ne3A_842 : i32
        %and3A_844 = arith.andi %ne3A_840, %ne3A_843 : i1
        %sub3A_845 = arith.constant 1 : i32
        %sub3A_846 = arith.subi %div3A_825, %sub3A_845 : i32
        %select_n3A_847 = arith.select %and3A_844, %sub3A_846, %div3A_825 : i32
        %jit3A_848 = arith.constant 16 : i32
        %eq3A_849 = arith.constant 0 : i32
        %eq3A_850 = arith.cmpi eq, %jit3A_848, %eq3A_849 : i32
        %jit3A_851 = arith.constant 1 : i32
        %select_n3A_852 = arith.select %eq3A_850, %jit3A_851, %jit3A_848 : i32
        %rem3A_853 = arith.remsi %add3A_219, %select_n3A_852 : i32
        %ne3A_854 = arith.constant 0 : i32
        %ne3A_855 = arith.cmpi ne, %rem3A_853, %ne3A_854 : i32
        %lt3A_856 = arith.constant 0 : i32
        %lt3A_857 = arith.cmpi slt, %rem3A_853, %lt3A_856 : i32
        %lt3A_858 = arith.constant 0 : i32
        %lt3A_859 = arith.cmpi slt, %select_n3A_852, %lt3A_858 : i32
        %ne3A_860 = arith.xori %lt3A_857, %lt3A_859 : i1
        %and3A_861 = arith.andi %ne3A_860, %ne3A_855 : i1
        %add3A_862 = arith.addi %rem3A_853, %select_n3A_852 : i32
        %select_n3A_863 = arith.select %and3A_861, %add3A_862, %rem3A_853 : i32
        %jit3A_864 = arith.constant 16 : i32
        %div3A_865 = arith.divsi %add3A_228, %jit3A_864 : i32
        %sign3A_866 = arith.constant 0 : i32
        %sign3A_867 = arith.cmpi sgt, %add3A_228, %sign3A_866 : i32
        %sign3A_868 = arith.extui %sign3A_867 : i1 to i32
        %sign3A_869 = arith.constant 0 : i32
        %sign3A_870 = arith.cmpi slt, %add3A_228, %sign3A_869 : i32
        %sign3A_871 = arith.extui %sign3A_870 : i1 to i32
        %sign3A_872 = arith.subi %sign3A_868, %sign3A_871 : i32
        %sign3A_873 = arith.constant 0 : i32
        %sign3A_874 = arith.cmpi sgt, %jit3A_864, %sign3A_873 : i32
        %sign3A_875 = arith.extui %sign3A_874 : i1 to i32
        %sign3A_876 = arith.constant 0 : i32
        %sign3A_877 = arith.cmpi slt, %jit3A_864, %sign3A_876 : i32
        %sign3A_878 = arith.extui %sign3A_877 : i1 to i32
        %sign3A_879 = arith.subi %sign3A_875, %sign3A_878 : i32
        %ne3A_880 = arith.cmpi ne, %sign3A_872, %sign3A_879 : i32
        %rem3A_881 = arith.remsi %add3A_228, %jit3A_864 : i32
        %ne3A_882 = arith.constant 0 : i32
        %ne3A_883 = arith.cmpi ne, %rem3A_881, %ne3A_882 : i32
        %and3A_884 = arith.andi %ne3A_880, %ne3A_883 : i1
        %sub3A_885 = arith.constant 1 : i32
        %sub3A_886 = arith.subi %div3A_865, %sub3A_885 : i32
        %select_n3A_887 = arith.select %and3A_884, %sub3A_886, %div3A_865 : i32
        %jit3A_888 = arith.constant 16 : i32
        %eq3A_889 = arith.constant 0 : i32
        %eq3A_890 = arith.cmpi eq, %jit3A_888, %eq3A_889 : i32
        %jit3A_891 = arith.constant 1 : i32
        %select_n3A_892 = arith.select %eq3A_890, %jit3A_891, %jit3A_888 : i32
        %rem3A_893 = arith.remsi %add3A_228, %select_n3A_892 : i32
        %ne3A_894 = arith.constant 0 : i32
        %ne3A_895 = arith.cmpi ne, %rem3A_893, %ne3A_894 : i32
        %lt3A_896 = arith.constant 0 : i32
        %lt3A_897 = arith.cmpi slt, %rem3A_893, %lt3A_896 : i32
        %lt3A_898 = arith.constant 0 : i32
        %lt3A_899 = arith.cmpi slt, %select_n3A_892, %lt3A_898 : i32
        %ne3A_900 = arith.xori %lt3A_897, %lt3A_899 : i1
        %and3A_901 = arith.andi %ne3A_900, %ne3A_895 : i1
        %add3A_902 = arith.addi %rem3A_893, %select_n3A_892 : i32
        %select_n3A_903 = arith.select %and3A_901, %add3A_902, %rem3A_893 : i32
        %ne3A_904 = arith.cmpi ne, %select_n3A_847, %select_n3A_887 : i32
        %ne3A_905 = arith.cmpi ne, %select_n3A_863, %select_n3A_903 : i32
        %or3A_906 = arith.constant false
        %or3A_907 = arith.ori %or3A_906, %ne3A_904 : i1
        %or3A_908 = arith.ori %or3A_907, %ne3A_905 : i1
        %not3A_909 = arith.constant true
        %not3A_910 = arith.xori %eq3A_216, %not3A_909 : i1
        %and3A_911 = arith.andi %or3A_908, %not3A_910 : i1
        %convert_element_type3A_912 = arith.extui %and3A_911 : i1 to i32
        %cond3A_913 = arith.constant 0 : i32
        %cond3A_914 = arith.cmpi ne, %convert_element_type3A_912, %cond3A_913 : i32
        scf.if %cond3A_914 {
        } else {
        }
        %and3A_915 = arith.constant false
        %and3A_916 = arith.andi %and3A_911, %and3A_915 : i1
        %jit3A_917 = arith.constant 16 : i32
        %div3A_918 = arith.divsi %add3A_219, %jit3A_917 : i32
        %sign3A_919 = arith.constant 0 : i32
        %sign3A_920 = arith.cmpi sgt, %add3A_219, %sign3A_919 : i32
        %sign3A_921 = arith.extui %sign3A_920 : i1 to i32
        %sign3A_922 = arith.constant 0 : i32
        %sign3A_923 = arith.cmpi slt, %add3A_219, %sign3A_922 : i32
        %sign3A_924 = arith.extui %sign3A_923 : i1 to i32
        %sign3A_925 = arith.subi %sign3A_921, %sign3A_924 : i32
        %sign3A_926 = arith.constant 0 : i32
        %sign3A_927 = arith.cmpi sgt, %jit3A_917, %sign3A_926 : i32
        %sign3A_928 = arith.extui %sign3A_927 : i1 to i32
        %sign3A_929 = arith.constant 0 : i32
        %sign3A_930 = arith.cmpi slt, %jit3A_917, %sign3A_929 : i32
        %sign3A_931 = arith.extui %sign3A_930 : i1 to i32
        %sign3A_932 = arith.subi %sign3A_928, %sign3A_931 : i32
        %ne3A_933 = arith.cmpi ne, %sign3A_925, %sign3A_932 : i32
        %rem3A_934 = arith.remsi %add3A_219, %jit3A_917 : i32
        %ne3A_935 = arith.constant 0 : i32
        %ne3A_936 = arith.cmpi ne, %rem3A_934, %ne3A_935 : i32
        %and3A_937 = arith.andi %ne3A_933, %ne3A_936 : i1
        %sub3A_938 = arith.constant 1 : i32
        %sub3A_939 = arith.subi %div3A_918, %sub3A_938 : i32
        %select_n3A_940 = arith.select %and3A_937, %sub3A_939, %div3A_918 : i32
        %jit3A_941 = arith.constant 16 : i32
        %eq3A_942 = arith.constant 0 : i32
        %eq3A_943 = arith.cmpi eq, %jit3A_941, %eq3A_942 : i32
        %jit3A_944 = arith.constant 1 : i32
        %select_n3A_945 = arith.select %eq3A_943, %jit3A_944, %jit3A_941 : i32
        %rem3A_946 = arith.remsi %add3A_219, %select_n3A_945 : i32
        %ne3A_947 = arith.constant 0 : i32
        %ne3A_948 = arith.cmpi ne, %rem3A_946, %ne3A_947 : i32
        %lt3A_949 = arith.constant 0 : i32
        %lt3A_950 = arith.cmpi slt, %rem3A_946, %lt3A_949 : i32
        %lt3A_951 = arith.constant 0 : i32
        %lt3A_952 = arith.cmpi slt, %select_n3A_945, %lt3A_951 : i32
        %ne3A_953 = arith.xori %lt3A_950, %lt3A_952 : i1
        %and3A_954 = arith.andi %ne3A_953, %ne3A_948 : i1
        %add3A_955 = arith.addi %rem3A_946, %select_n3A_945 : i32
        %select_n3A_956 = arith.select %and3A_954, %add3A_955, %rem3A_946 : i32
        %jit3A_957 = arith.constant 16 : i32
        %div3A_958 = arith.divsi %add3A_228, %jit3A_957 : i32
        %sign3A_959 = arith.constant 0 : i32
        %sign3A_960 = arith.cmpi sgt, %add3A_228, %sign3A_959 : i32
        %sign3A_961 = arith.extui %sign3A_960 : i1 to i32
        %sign3A_962 = arith.constant 0 : i32
        %sign3A_963 = arith.cmpi slt, %add3A_228, %sign3A_962 : i32
        %sign3A_964 = arith.extui %sign3A_963 : i1 to i32
        %sign3A_965 = arith.subi %sign3A_961, %sign3A_964 : i32
        %sign3A_966 = arith.constant 0 : i32
        %sign3A_967 = arith.cmpi sgt, %jit3A_957, %sign3A_966 : i32
        %sign3A_968 = arith.extui %sign3A_967 : i1 to i32
        %sign3A_969 = arith.constant 0 : i32
        %sign3A_970 = arith.cmpi slt, %jit3A_957, %sign3A_969 : i32
        %sign3A_971 = arith.extui %sign3A_970 : i1 to i32
        %sign3A_972 = arith.subi %sign3A_968, %sign3A_971 : i32
        %ne3A_973 = arith.cmpi ne, %sign3A_965, %sign3A_972 : i32
        %rem3A_974 = arith.remsi %add3A_228, %jit3A_957 : i32
        %ne3A_975 = arith.constant 0 : i32
        %ne3A_976 = arith.cmpi ne, %rem3A_974, %ne3A_975 : i32
        %and3A_977 = arith.andi %ne3A_973, %ne3A_976 : i1
        %sub3A_978 = arith.constant 1 : i32
        %sub3A_979 = arith.subi %div3A_958, %sub3A_978 : i32
        %select_n3A_980 = arith.select %and3A_977, %sub3A_979, %div3A_958 : i32
        %jit3A_981 = arith.constant 16 : i32
        %eq3A_982 = arith.constant 0 : i32
        %eq3A_983 = arith.cmpi eq, %jit3A_981, %eq3A_982 : i32
        %jit3A_984 = arith.constant 1 : i32
        %select_n3A_985 = arith.select %eq3A_983, %jit3A_984, %jit3A_981 : i32
        %rem3A_986 = arith.remsi %add3A_228, %select_n3A_985 : i32
        %ne3A_987 = arith.constant 0 : i32
        %ne3A_988 = arith.cmpi ne, %rem3A_986, %ne3A_987 : i32
        %lt3A_989 = arith.constant 0 : i32
        %lt3A_990 = arith.cmpi slt, %rem3A_986, %lt3A_989 : i32
        %lt3A_991 = arith.constant 0 : i32
        %lt3A_992 = arith.cmpi slt, %select_n3A_985, %lt3A_991 : i32
        %ne3A_993 = arith.xori %lt3A_990, %lt3A_992 : i1
        %and3A_994 = arith.andi %ne3A_993, %ne3A_988 : i1
        %add3A_995 = arith.addi %rem3A_986, %select_n3A_985 : i32
        %select_n3A_996 = arith.select %and3A_994, %add3A_995, %rem3A_986 : i32
        %ne3A_997 = arith.cmpi ne, %select_n3A_940, %select_n3A_980 : i32
        %ne3A_998 = arith.cmpi ne, %select_n3A_956, %select_n3A_996 : i32
        %or3A_999 = arith.constant false
        %or3A_1000 = arith.ori %or3A_999, %ne3A_997 : i1
        %or3A_1001 = arith.ori %or3A_1000, %ne3A_998 : i1
        %not3A_1002 = arith.constant true
        %not3A_1003 = arith.xori %eq3A_216, %not3A_1002 : i1
        %and3A_1004 = arith.andi %or3A_1001, %not3A_1003 : i1
        %convert_element_type3A_1005 = arith.extui %and3A_1004 : i1 to i32
        %cond3A_1006 = arith.constant 0 : i32
        %cond3A_1007 = arith.cmpi ne, %convert_element_type3A_1005, %cond3A_1006 : i32
        scf.if %cond3A_1007 {
        } else {
        }
        %and3A_1008 = arith.constant false
        %and3A_1009 = arith.andi %and3A_1004, %and3A_1008 : i1
        %jit3A_1010 = arith.constant 16 : i32
        %div3A_1011 = arith.divsi %add3A_219, %jit3A_1010 : i32
        %sign3A_1012 = arith.constant 0 : i32
        %sign3A_1013 = arith.cmpi sgt, %add3A_219, %sign3A_1012 : i32
        %sign3A_1014 = arith.extui %sign3A_1013 : i1 to i32
        %sign3A_1015 = arith.constant 0 : i32
        %sign3A_1016 = arith.cmpi slt, %add3A_219, %sign3A_1015 : i32
        %sign3A_1017 = arith.extui %sign3A_1016 : i1 to i32
        %sign3A_1018 = arith.subi %sign3A_1014, %sign3A_1017 : i32
        %sign3A_1019 = arith.constant 0 : i32
        %sign3A_1020 = arith.cmpi sgt, %jit3A_1010, %sign3A_1019 : i32
        %sign3A_1021 = arith.extui %sign3A_1020 : i1 to i32
        %sign3A_1022 = arith.constant 0 : i32
        %sign3A_1023 = arith.cmpi slt, %jit3A_1010, %sign3A_1022 : i32
        %sign3A_1024 = arith.extui %sign3A_1023 : i1 to i32
        %sign3A_1025 = arith.subi %sign3A_1021, %sign3A_1024 : i32
        %ne3A_1026 = arith.cmpi ne, %sign3A_1018, %sign3A_1025 : i32
        %rem3A_1027 = arith.remsi %add3A_219, %jit3A_1010 : i32
        %ne3A_1028 = arith.constant 0 : i32
        %ne3A_1029 = arith.cmpi ne, %rem3A_1027, %ne3A_1028 : i32
        %and3A_1030 = arith.andi %ne3A_1026, %ne3A_1029 : i1
        %sub3A_1031 = arith.constant 1 : i32
        %sub3A_1032 = arith.subi %div3A_1011, %sub3A_1031 : i32
        %select_n3A_1033 = arith.select %and3A_1030, %sub3A_1032, %div3A_1011 : i32
        %jit3A_1034 = arith.constant 16 : i32
        %eq3A_1035 = arith.constant 0 : i32
        %eq3A_1036 = arith.cmpi eq, %jit3A_1034, %eq3A_1035 : i32
        %jit3A_1037 = arith.constant 1 : i32
        %select_n3A_1038 = arith.select %eq3A_1036, %jit3A_1037, %jit3A_1034 : i32
        %rem3A_1039 = arith.remsi %add3A_219, %select_n3A_1038 : i32
        %ne3A_1040 = arith.constant 0 : i32
        %ne3A_1041 = arith.cmpi ne, %rem3A_1039, %ne3A_1040 : i32
        %lt3A_1042 = arith.constant 0 : i32
        %lt3A_1043 = arith.cmpi slt, %rem3A_1039, %lt3A_1042 : i32
        %lt3A_1044 = arith.constant 0 : i32
        %lt3A_1045 = arith.cmpi slt, %select_n3A_1038, %lt3A_1044 : i32
        %ne3A_1046 = arith.xori %lt3A_1043, %lt3A_1045 : i1
        %and3A_1047 = arith.andi %ne3A_1046, %ne3A_1041 : i1
        %add3A_1048 = arith.addi %rem3A_1039, %select_n3A_1038 : i32
        %select_n3A_1049 = arith.select %and3A_1047, %add3A_1048, %rem3A_1039 : i32
        %jit3A_1050 = arith.constant 16 : i32
        %div3A_1051 = arith.divsi %add3A_237, %jit3A_1050 : i32
        %sign3A_1052 = arith.constant 0 : i32
        %sign3A_1053 = arith.cmpi sgt, %add3A_237, %sign3A_1052 : i32
        %sign3A_1054 = arith.extui %sign3A_1053 : i1 to i32
        %sign3A_1055 = arith.constant 0 : i32
        %sign3A_1056 = arith.cmpi slt, %add3A_237, %sign3A_1055 : i32
        %sign3A_1057 = arith.extui %sign3A_1056 : i1 to i32
        %sign3A_1058 = arith.subi %sign3A_1054, %sign3A_1057 : i32
        %sign3A_1059 = arith.constant 0 : i32
        %sign3A_1060 = arith.cmpi sgt, %jit3A_1050, %sign3A_1059 : i32
        %sign3A_1061 = arith.extui %sign3A_1060 : i1 to i32
        %sign3A_1062 = arith.constant 0 : i32
        %sign3A_1063 = arith.cmpi slt, %jit3A_1050, %sign3A_1062 : i32
        %sign3A_1064 = arith.extui %sign3A_1063 : i1 to i32
        %sign3A_1065 = arith.subi %sign3A_1061, %sign3A_1064 : i32
        %ne3A_1066 = arith.cmpi ne, %sign3A_1058, %sign3A_1065 : i32
        %rem3A_1067 = arith.remsi %add3A_237, %jit3A_1050 : i32
        %ne3A_1068 = arith.constant 0 : i32
        %ne3A_1069 = arith.cmpi ne, %rem3A_1067, %ne3A_1068 : i32
        %and3A_1070 = arith.andi %ne3A_1066, %ne3A_1069 : i1
        %sub3A_1071 = arith.constant 1 : i32
        %sub3A_1072 = arith.subi %div3A_1051, %sub3A_1071 : i32
        %select_n3A_1073 = arith.select %and3A_1070, %sub3A_1072, %div3A_1051 : i32
        %jit3A_1074 = arith.constant 16 : i32
        %eq3A_1075 = arith.constant 0 : i32
        %eq3A_1076 = arith.cmpi eq, %jit3A_1074, %eq3A_1075 : i32
        %jit3A_1077 = arith.constant 1 : i32
        %select_n3A_1078 = arith.select %eq3A_1076, %jit3A_1077, %jit3A_1074 : i32
        %rem3A_1079 = arith.remsi %add3A_237, %select_n3A_1078 : i32
        %ne3A_1080 = arith.constant 0 : i32
        %ne3A_1081 = arith.cmpi ne, %rem3A_1079, %ne3A_1080 : i32
        %lt3A_1082 = arith.constant 0 : i32
        %lt3A_1083 = arith.cmpi slt, %rem3A_1079, %lt3A_1082 : i32
        %lt3A_1084 = arith.constant 0 : i32
        %lt3A_1085 = arith.cmpi slt, %select_n3A_1078, %lt3A_1084 : i32
        %ne3A_1086 = arith.xori %lt3A_1083, %lt3A_1085 : i1
        %and3A_1087 = arith.andi %ne3A_1086, %ne3A_1081 : i1
        %add3A_1088 = arith.addi %rem3A_1079, %select_n3A_1078 : i32
        %select_n3A_1089 = arith.select %and3A_1087, %add3A_1088, %rem3A_1079 : i32
        %ne3A_1090 = arith.cmpi ne, %select_n3A_1033, %select_n3A_1073 : i32
        %ne3A_1091 = arith.cmpi ne, %select_n3A_1049, %select_n3A_1089 : i32
        %or3A_1092 = arith.constant false
        %or3A_1093 = arith.ori %or3A_1092, %ne3A_1090 : i1
        %or3A_1094 = arith.ori %or3A_1093, %ne3A_1091 : i1
        %or3A_1095 = arith.ori %or3A_1094, %eq3A_218 : i1
        %add3A_1096 = arith.constant 1 : i32
        %add3A_1097 = arith.addi %scan3A_211, %add3A_1096 : i32
        %select_n3A_1098 = arith.select %or3A_1095, %add3A_1097, %scan3A_211 : i32
        %jit3A_1099 = arith.constant 16 : i32
        %div3A_1100 = arith.divsi %add3A_219, %jit3A_1099 : i32
        %sign3A_1101 = arith.constant 0 : i32
        %sign3A_1102 = arith.cmpi sgt, %add3A_219, %sign3A_1101 : i32
        %sign3A_1103 = arith.extui %sign3A_1102 : i1 to i32
        %sign3A_1104 = arith.constant 0 : i32
        %sign3A_1105 = arith.cmpi slt, %add3A_219, %sign3A_1104 : i32
        %sign3A_1106 = arith.extui %sign3A_1105 : i1 to i32
        %sign3A_1107 = arith.subi %sign3A_1103, %sign3A_1106 : i32
        %sign3A_1108 = arith.constant 0 : i32
        %sign3A_1109 = arith.cmpi sgt, %jit3A_1099, %sign3A_1108 : i32
        %sign3A_1110 = arith.extui %sign3A_1109 : i1 to i32
        %sign3A_1111 = arith.constant 0 : i32
        %sign3A_1112 = arith.cmpi slt, %jit3A_1099, %sign3A_1111 : i32
        %sign3A_1113 = arith.extui %sign3A_1112 : i1 to i32
        %sign3A_1114 = arith.subi %sign3A_1110, %sign3A_1113 : i32
        %ne3A_1115 = arith.cmpi ne, %sign3A_1107, %sign3A_1114 : i32
        %rem3A_1116 = arith.remsi %add3A_219, %jit3A_1099 : i32
        %ne3A_1117 = arith.constant 0 : i32
        %ne3A_1118 = arith.cmpi ne, %rem3A_1116, %ne3A_1117 : i32
        %and3A_1119 = arith.andi %ne3A_1115, %ne3A_1118 : i1
        %sub3A_1120 = arith.constant 1 : i32
        %sub3A_1121 = arith.subi %div3A_1100, %sub3A_1120 : i32
        %select_n3A_1122 = arith.select %and3A_1119, %sub3A_1121, %div3A_1100 : i32
        %jit3A_1123 = arith.constant 16 : i32
        %eq3A_1124 = arith.constant 0 : i32
        %eq3A_1125 = arith.cmpi eq, %jit3A_1123, %eq3A_1124 : i32
        %jit3A_1126 = arith.constant 1 : i32
        %select_n3A_1127 = arith.select %eq3A_1125, %jit3A_1126, %jit3A_1123 : i32
        %rem3A_1128 = arith.remsi %add3A_219, %select_n3A_1127 : i32
        %ne3A_1129 = arith.constant 0 : i32
        %ne3A_1130 = arith.cmpi ne, %rem3A_1128, %ne3A_1129 : i32
        %lt3A_1131 = arith.constant 0 : i32
        %lt3A_1132 = arith.cmpi slt, %rem3A_1128, %lt3A_1131 : i32
        %lt3A_1133 = arith.constant 0 : i32
        %lt3A_1134 = arith.cmpi slt, %select_n3A_1127, %lt3A_1133 : i32
        %ne3A_1135 = arith.xori %lt3A_1132, %lt3A_1134 : i1
        %and3A_1136 = arith.andi %ne3A_1135, %ne3A_1130 : i1
        %add3A_1137 = arith.addi %rem3A_1128, %select_n3A_1127 : i32
        %select_n3A_1138 = arith.select %and3A_1136, %add3A_1137, %rem3A_1128 : i32
        %jit3A_1139 = arith.constant 16 : i32
        %div3A_1140 = arith.divsi %add3A_237, %jit3A_1139 : i32
        %sign3A_1141 = arith.constant 0 : i32
        %sign3A_1142 = arith.cmpi sgt, %add3A_237, %sign3A_1141 : i32
        %sign3A_1143 = arith.extui %sign3A_1142 : i1 to i32
        %sign3A_1144 = arith.constant 0 : i32
        %sign3A_1145 = arith.cmpi slt, %add3A_237, %sign3A_1144 : i32
        %sign3A_1146 = arith.extui %sign3A_1145 : i1 to i32
        %sign3A_1147 = arith.subi %sign3A_1143, %sign3A_1146 : i32
        %sign3A_1148 = arith.constant 0 : i32
        %sign3A_1149 = arith.cmpi sgt, %jit3A_1139, %sign3A_1148 : i32
        %sign3A_1150 = arith.extui %sign3A_1149 : i1 to i32
        %sign3A_1151 = arith.constant 0 : i32
        %sign3A_1152 = arith.cmpi slt, %jit3A_1139, %sign3A_1151 : i32
        %sign3A_1153 = arith.extui %sign3A_1152 : i1 to i32
        %sign3A_1154 = arith.subi %sign3A_1150, %sign3A_1153 : i32
        %ne3A_1155 = arith.cmpi ne, %sign3A_1147, %sign3A_1154 : i32
        %rem3A_1156 = arith.remsi %add3A_237, %jit3A_1139 : i32
        %ne3A_1157 = arith.constant 0 : i32
        %ne3A_1158 = arith.cmpi ne, %rem3A_1156, %ne3A_1157 : i32
        %and3A_1159 = arith.andi %ne3A_1155, %ne3A_1158 : i1
        %sub3A_1160 = arith.constant 1 : i32
        %sub3A_1161 = arith.subi %div3A_1140, %sub3A_1160 : i32
        %select_n3A_1162 = arith.select %and3A_1159, %sub3A_1161, %div3A_1140 : i32
        %jit3A_1163 = arith.constant 16 : i32
        %eq3A_1164 = arith.constant 0 : i32
        %eq3A_1165 = arith.cmpi eq, %jit3A_1163, %eq3A_1164 : i32
        %jit3A_1166 = arith.constant 1 : i32
        %select_n3A_1167 = arith.select %eq3A_1165, %jit3A_1166, %jit3A_1163 : i32
        %rem3A_1168 = arith.remsi %add3A_237, %select_n3A_1167 : i32
        %ne3A_1169 = arith.constant 0 : i32
        %ne3A_1170 = arith.cmpi ne, %rem3A_1168, %ne3A_1169 : i32
        %lt3A_1171 = arith.constant 0 : i32
        %lt3A_1172 = arith.cmpi slt, %rem3A_1168, %lt3A_1171 : i32
        %lt3A_1173 = arith.constant 0 : i32
        %lt3A_1174 = arith.cmpi slt, %select_n3A_1167, %lt3A_1173 : i32
        %ne3A_1175 = arith.xori %lt3A_1172, %lt3A_1174 : i1
        %and3A_1176 = arith.andi %ne3A_1175, %ne3A_1170 : i1
        %add3A_1177 = arith.addi %rem3A_1168, %select_n3A_1167 : i32
        %select_n3A_1178 = arith.select %and3A_1176, %add3A_1177, %rem3A_1168 : i32
        %ne3A_1179 = arith.cmpi ne, %select_n3A_1122, %select_n3A_1162 : i32
        %ne3A_1180 = arith.cmpi ne, %select_n3A_1138, %select_n3A_1178 : i32
        %or3A_1181 = arith.constant false
        %or3A_1182 = arith.ori %or3A_1181, %ne3A_1179 : i1
        %or3A_1183 = arith.ori %or3A_1182, %ne3A_1180 : i1
        %or3A_1184 = arith.ori %or3A_1183, %eq3A_218 : i1
        %add3A_1185 = arith.constant 1 : i32
        %add3A_1186 = arith.addi %scan3A_213, %add3A_1185 : i32
        %select_n3A_1187 = arith.select %or3A_1184, %add3A_1186, %scan3A_213 : i32
        %add3A_1188 = arith.constant 1 : i32
        %add3A_1189 = arith.addi %scan3A_214, %add3A_1188 : i32
        %select_n3A_1190 = arith.constant true
        %select_n3A_1191 = arith.select %select_n3A_1190, %add3A_1189, %scan3A_214 : i32
        %eq3A_1192 = arith.constant 3 : i32
        %eq3A_1193 = arith.cmpi eq, %select_n3A_1191, %eq3A_1192 : i32
        %select_n3A_1194 = arith.constant 0 : i32
        %select_n3A_1195 = arith.select %eq3A_1193, %select_n3A_1194, %select_n3A_1191 : i32
        scf.yield %select_n3A_339, %select_n3A_1098, %select_n3A_437, %select_n3A_1187, %select_n3A_1195 : i32, i32, i32, i32, i32
      }
      %scan3A_172 = arith.constant 3 : i32
      %sub3A_173 = arith.constant 1 : i32
      %sub3A_174 = arith.subi %scan3A_171#4, %sub3A_173 : i32
      %select_n3A_175 = arith.constant true
      %select_n3A_176 = arith.select %select_n3A_175, %sub3A_174, %scan3A_171#4 : i32
      %eq3A_177 = arith.constant -1 : i32
      %eq3A_178 = arith.cmpi eq, %select_n3A_176, %eq3A_177 : i32
      %select_n3A_179 = arith.constant 2 : i32
      %select_n3A_180 = arith.select %eq3A_178, %select_n3A_179, %select_n3A_176 : i32
      %add3A_181 = arith.addi %select_n3A_180, %mul3A_13 : i32
      %sub3A_182 = arith.constant 1 : i32
      %sub3A_183 = arith.subi %select_n3A_180, %sub3A_182 : i32
      %select_n3A_184 = arith.constant true
      %select_n3A_185 = arith.select %select_n3A_184, %sub3A_183, %select_n3A_180 : i32
      %eq3A_186 = arith.constant -1 : i32
      %eq3A_187 = arith.cmpi eq, %select_n3A_185, %eq3A_186 : i32
      %select_n3A_188 = arith.constant 2 : i32
      %select_n3A_189 = arith.select %eq3A_187, %select_n3A_188, %select_n3A_185 : i32
      %add3A_190 = arith.addi %select_n3A_189, %mul3A_13 : i32
      %add3A_191 = arith.constant 1 : i32
      %add3A_192 = arith.addi %select_n3A_180, %add3A_191 : i32
      %select_n3A_193 = arith.constant true
      %select_n3A_194 = arith.select %select_n3A_193, %add3A_192, %select_n3A_180 : i32
      %eq3A_195 = arith.constant 3 : i32
      %eq3A_196 = arith.cmpi eq, %select_n3A_194, %eq3A_195 : i32
      %select_n3A_197 = arith.constant 0 : i32
      %select_n3A_198 = arith.select %eq3A_196, %select_n3A_197, %select_n3A_194 : i32
      %add3A_199 = arith.addi %select_n3A_198, %mul3A_13 : i32
      %add3A_200 = arith.constant 1 : i32
      %add3A_201 = arith.addi %select_n3A_198, %add3A_200 : i32
      %select_n3A_202 = arith.constant true
      %select_n3A_203 = arith.select %select_n3A_202, %add3A_201, %select_n3A_198 : i32
      %eq3A_204 = arith.constant 3 : i32
      %eq3A_205 = arith.cmpi eq, %select_n3A_203, %eq3A_204 : i32
      %select_n3A_206 = arith.constant 0 : i32
      %select_n3A_207 = arith.select %eq3A_205, %select_n3A_206, %select_n3A_203 : i32
      %add3A_208 = arith.addi %select_n3A_207, %mul3A_13 : i32
      tpu.yield
    }) : () -> ()
    "tpu.region"() ({
      %run_scoped3A = tpu.sem_alloc : memref<!tpu.dma_semaphore, #tpu.memory_space<semaphore_mem>>
      %dma_start3A = arith.constant 0 : i32
      %dma_start3A_14 = tpu.memref_slice %arg4[%add3A, %dma_start3A] : memref<32x16xf32, #tpu.memory_space<hbm>> -> memref<1x16xf32, #tpu.memory_space<hbm>>
      %dma_start3A_15 = tpu.memref_squeeze %dma_start3A_14 : memref<1x16xf32, #tpu.memory_space<hbm>> -> memref<16xf32, #tpu.memory_space<hbm>>
      %dma_start3A_16 = arith.constant 0 : i32
      %dma_start3A_17 = tpu.memref_slice %arg4[%add3A, %dma_start3A_16] : memref<32x16xf32, #tpu.memory_space<hbm>> -> memref<1x16xf32, #tpu.memory_space<hbm>>
      %dma_start3A_18 = tpu.memref_squeeze %dma_start3A_17 : memref<1x16xf32, #tpu.memory_space<hbm>> -> memref<16xf32, #tpu.memory_space<hbm>>
      tpu.enqueue_dma source(%arg5 : memref<16xf32, #tpu.memory_space<vmem>>) target(%dma_start3A_18 : memref<16xf32, #tpu.memory_space<hbm>>) target_semaphore(%run_scoped3A : memref<!tpu.dma_semaphore, #tpu.memory_space<semaphore_mem>>)
      %dma_wait3A = arith.constant 0 : i32
      %dma_wait3A_19 = tpu.memref_slice %arg4[%add3A, %dma_wait3A] : memref<32x16xf32, #tpu.memory_space<hbm>> -> memref<1x16xf32, #tpu.memory_space<hbm>>
      %dma_wait3A_20 = tpu.memref_squeeze %dma_wait3A_19 : memref<1x16xf32, #tpu.memory_space<hbm>> -> memref<16xf32, #tpu.memory_space<hbm>>
      %dma_wait3A_21 = arith.constant 0 : i32
      %dma_wait3A_22 = tpu.memref_slice %arg4[%add3A, %dma_wait3A_21] : memref<32x16xf32, #tpu.memory_space<hbm>> -> memref<1x16xf32, #tpu.memory_space<hbm>>
      %dma_wait3A_23 = tpu.memref_squeeze %dma_wait3A_22 : memref<1x16xf32, #tpu.memory_space<hbm>> -> memref<16xf32, #tpu.memory_space<hbm>>
      tpu.wait_dma2 semaphore(%run_scoped3A : memref<!tpu.dma_semaphore, #tpu.memory_space<semaphore_mem>>) src(%arg5 : memref<16xf32, #tpu.memory_space<vmem>>) dst(%dma_wait3A_23 : memref<16xf32, #tpu.memory_space<hbm>>)
      tpu.yield
    }) : () -> ()
    return
  }
}

module attributes {stable_mosaic.version = 14 : i64} {
  func.func @_tc_body(%arg0: i32, %arg1: memref<16x32768xf32, #tpu.memory_space<vmem>>, %arg2: memref<16x32768xf32, #tpu.memory_space<vmem>>, %arg3: memref<1x1xf32, #tpu.memory_space<smem>>) attributes {dimension_semantics = [#tpu.dimension_semantics<arbitrary>], iteration_bounds = array<i64: 5>, scalar_prefetch = 0 : i64, scratch_operands = 0 : i64, tpu.core_type = #tpu.core_type<tc>, window_params = [{transform_indices = @transform_0, window_bounds = array<i64: 16, 32768>}, {transform_indices = @transform_1, window_bounds = array<i64: 16, 32768>}, {transform_indices = @transform_2, window_bounds = array<i64: 1, 1>}]} {
    %get3A = arith.constant 0 : index
    %get3A_0 = arith.constant 0 : index
    %get3A_1 = vector.load %arg1[%get3A, %get3A_0] : memref<16x32768xf32, #tpu.memory_space<vmem>>, vector<16x32768xf32>
    %get3A_2 = arith.constant 0 : index
    %get3A_3 = arith.constant 0 : index
    %get3A_4 = vector.load %arg2[%get3A_2, %get3A_3] : memref<16x32768xf32, #tpu.memory_space<vmem>>, vector<16x32768xf32>
    %gt3A = arith.constant 0.000000e+00 : f32
    %gt3A_5 = vector.broadcast %gt3A : f32 to vector<16x32768xf32>
    %gt3A_6 = arith.cmpf ogt, %get3A_4, %gt3A_5 : vector<16x32768xf32>
    %mul3A = arith.constant -2.000000e+00 : f32
    %mul3A_7 = vector.broadcast %mul3A : f32 to vector<16x32768xf32>
    %mul3A_8 = arith.mulf %mul3A_7, %get3A_1 : vector<16x32768xf32>
    %lt3A = arith.constant 0.000000e+00 : f32
    %lt3A_9 = vector.broadcast %lt3A : f32 to vector<16x32768xf32>
    %lt3A_10 = arith.cmpf olt, %get3A_4, %lt3A_9 : vector<16x32768xf32>
    %jit3A = arith.constant 0.000000e+00 : f32
    %broadcast_in_dim3A = vector.broadcast %jit3A : f32 to vector<16x32768xf32>
    %select_n3A = arith.select %lt3A_10, %get3A_1, %broadcast_in_dim3A : vector<16x32768xi1>, vector<16x32768xf32>
    %select_n3A_11 = arith.select %gt3A_6, %mul3A_8, %select_n3A : vector<16x32768xi1>, vector<16x32768xf32>
    %reduce_sum3A = vector.shape_cast %select_n3A_11 : vector<16x32768xf32> to vector<1x16x32768xf32>
    %reduce_sum3A_12 = arith.constant dense<0.000000e+00> : vector<1xf32>
    %reduce_sum3A_13 = vector.multi_reduction <add>, %reduce_sum3A, %reduce_sum3A_12 [1, 2] : vector<1x16x32768xf32> to vector<1xf32>
    %reduce_sum3A_14 = vector.shape_cast %reduce_sum3A_13 : vector<1xf32> to vector<1x1x1xf32>
    %reduce_sum3A_15 = vector.extract %reduce_sum3A_14[0, 0, 0] : f32 from vector<1x1x1xf32>
    %eq3A = arith.constant 0 : i32
    %eq3A_16 = arith.cmpi eq, %arg0, %eq3A : i32
    %convert_element_type3A = arith.extui %eq3A_16 : i1 to i32
    %cond3A = arith.constant 0 : i32
    %cond3A_17 = arith.cmpi ne, %convert_element_type3A, %cond3A : i32
    scf.if %cond3A_17 {
      %swap3A_23 = arith.constant 0.000000e+00 : f32
      %swap3A_24 = arith.constant 0 : index
      %swap3A_25 = arith.constant 0 : index
      %swap3A_26 = memref.load %arg3[%swap3A_24, %swap3A_25] : memref<1x1xf32, #tpu.memory_space<smem>>
      memref.store %swap3A_23, %arg3[%swap3A_24, %swap3A_25] : memref<1x1xf32, #tpu.memory_space<smem>>
    } else {
    }
    %get3A_18 = arith.constant 0 : index
    %get3A_19 = arith.constant 0 : index
    %get3A_20 = memref.load %arg3[%get3A_18, %get3A_19] : memref<1x1xf32, #tpu.memory_space<smem>>
    %add3A = arith.addf %get3A_20, %reduce_sum3A_15 : f32
    %swap3A = arith.constant 0 : index
    %swap3A_21 = arith.constant 0 : index
    %swap3A_22 = memref.load %arg3[%swap3A, %swap3A_21] : memref<1x1xf32, #tpu.memory_space<smem>>
    memref.store %add3A, %arg3[%swap3A, %swap3A_21] : memref<1x1xf32, #tpu.memory_space<smem>>
    return
  }
  func.func @transform_0(%arg0: i32) -> (i32, i32) {
    %add3A = arith.constant 3 : i32
    %add3A_0 = arith.addi %arg0, %add3A : i32
    %c0_i32 = arith.constant 0 : i32
    %c0_i32_1 = arith.constant 0 : i32
    return %add3A_0, %c0_i32 : i32, i32
  }
  func.func @transform_1(%arg0: i32) -> (i32, i32) {
    %add3A = arith.constant 3 : i32
    %add3A_0 = arith.addi %arg0, %add3A : i32
    %c0_i32 = arith.constant 0 : i32
    %c0_i32_1 = arith.constant 0 : i32
    return %add3A_0, %c0_i32 : i32, i32
  }
  func.func @transform_2(%arg0: i32) -> (i32, i32) {
    %c0_i32 = arith.constant 0 : i32
    %c0_i32_0 = arith.constant 0 : i32
    %c0_i32_1 = arith.constant 0 : i32
    return %c0_i32, %c0_i32_0 : i32, i32
  }
}

</mosaic_0001>

<sc_bundles>
// kernel: kernel.4.cloned.1.call-start
scs
__scs_entry_jumppad:
0x0: {  	(pc) =	sbr.rel $0x88, $3  }
0x1: {  	(tag) =	ssettag $0x0;
	lr =	simm.s32 $0x1  }
0x2: {  	[smem:$0x3F9F] =	sst lr;
	_ =	strace $0xD0000000  }
0x3: {  	_ = 	snop  }
0x4: {  	_ = 	snop  }
0x5: {  	_ = 	snop  }
0x6: {  	_ = 	snop  }
0x7: {  	_ = 	snop  }
__scs_overlays_trampoline_lowered:
0x8: {  	[smem:$0x3FAE] =	sst s0  }
0x9: {  	[smem:$0x3FAF] =	sst s1  }
0xa: {  	[smem:$0x3FB0] =	sst s2  }
0xb: {  	[smem:$0x3FB1] =	sst s3  }
0xc: {  	[smem:$0x3FB2] =	sst s4  }
0xd: {  	[smem:$0x3FB3] =	sst s5  }
0xe: {  	[smem:$0x3FB4] =	sst s6  }
0xf: {  	[smem:$0x3FB5] =	sst s7  }
0x10: {  	[smem:$0x3FB6] =	sst s8  }
0x11: {  	[smem:$0x3FB7] =	sst s9;
	s0 =	simm.s32 @!p0 $0x0  }
0x12: {  	s1 =	sld [smem:$0x3F9D];
	s0 =	simm.s32 @p0 $0x1  }
0x13: {  	[smem:$0x3FB8] =	sst s0;
	s0 =	simm.s32 @!p1 $0x0  }
0x14: {  	s2 =	sld [smem:$0x3F9C];
	s0 =	simm.s32 @p1 $0x1  }
0x15: {  	[smem:$0x3FB9] =	sst s0;
	s0 =	simm.s32 @!p2 $0x0  }
0x16: {  	s3 =	sld [smem:$0x3FDB];
	s0 =	simm.s32 @p2 $0x1  }
0x17: {  	s4 =	simm.s32 $0x1BF5;
	[smem:$0x3FBB] =	sst s0  }
0x18: {  	s0 =	sld [smem:$0x3F9E];
	_ =	swait.ge [sflag:s4], $0x0  }
0x19: {  	s7 =	sld [smem:$0x3F9F]  }
0x1a: {  	s8 =	sadd.s32 $0xFFFFE003, lr  }
0x1b: {  	s9 =	sadd.s32 $0xFFFFFEF7, lr;
	s5 =	simm.s32 $0xFFFFFFFF;
	p2 =	slt.u32 s8, $0xFFFFF086  }
0x1c: {  	p1 =	slt.u32 s9, $0xF7A;
	s5 =	simm.s32 @!p2 $0x0  }
0x1d: {  	s5 =	simm.s32 @p1 $0x1;
	p0 =	seq.s32 s7, s2  }
0x1e: {  	s7 =	smul.u32 @!p0 $0xF7A, s2;
	p2 =	seq.s32 @!p0 s5, $0x0  }
0x1f: {  	s9 =	smul.u32 $0xF7A, s1;
	s8 =	simm.s32 @!p0 $0x1BF5;
	p2 =	por !p2, p0  }
0x20: {  	[sflag:s8] =	ssyncset.s32 @!p0 $0xFFFFF086;
	s6 =	sadd.s32 @!p0 s3, s7;
	s7 =	simm.s32 @!p0 $0x108  }
0x21: {  	s3 =	sadd.s32 s3, s9;
	s6 =	sadd.s32 @!p0 $0x88, s6;
	s7 =	simm.s32 @p2 $0x1082  }
0x22: {  	[simem:s7], [sflag:s8] =	dma.local @!p0 [hbm:s6], $0xF7A  }
0x23: {  	s9 =	sor.u32 $0xD0000000, s2;
	s6 =	simm.s32 $0x108;
	_ =	swait.ge @!p0 [sflag:s8], $0x0  }
0x24: {  	s3 =	sadd.s32 $0x88, s3;
	s6 =	simm.s32 @!p1 $0x1082;
	[sflag:s4] =	ssyncset.s32 $0xFFFFF086  }
0x25: {  	[simem:s6], [sflag:s4] =	dma.local [hbm:s3], $0xF7A  }
0x26: {  	[smem:$0x3F9F] =	sst s1;
	(tag) =	ssettag s2;
	_ =	strace s9  }
0x27: {  	s1 =	sld [smem:$0x3FAF]  }
0x28: {  	s2 =	sld [smem:$0x3FB0]  }
0x29: {  	s4 =	sld [smem:$0x3FB2]  }
0x2a: {  	p0 =	seq.s32 s5, $0x0;
	s5 =	sld [smem:$0x3FB3]  }
0x2b: {  	s6 =	sld [smem:$0x3FB4]  }
0x2c: {  	s7 =	sld [smem:$0x3FB5]  }
0x2d: {  	s3 =	simm.s32 $0x108;
	s8 =	sld [smem:$0x3FB6]  }
0x2e: {  	s3 =	simm.s32 @!p0 $0x1082;
	s9 =	sld [smem:$0x3FB7]  }
0x2f: {  	lr =	sadd.s32 s0, s3;
	s0 =	sld [smem:$0x3FAE]  }
0x30: {  	s3 =	sld [smem:$0x3FB1]  }
0x31: {  	[smem:$0x3FBA] =	sst s10  }
0x32: {  	s10 =	sld [smem:$0x3FB8];
	_ =	sdelay $0x3  }
0x33: {  	p0 =	seq.s32 s10, $0x1;
	s10 =	sld [smem:$0x3FBA];
	_ =	sdelay $0x3  }
0x34: {  	[smem:$0x3FBA] =	sst s10  }
0x35: {  	s10 =	sld [smem:$0x3FB9];
	_ =	sdelay $0x3  }
0x36: {  	p1 =	seq.s32 s10, $0x1;
	s10 =	sld [smem:$0x3FBA];
	_ =	sdelay $0x3  }
0x37: {  	[smem:$0x3FBA] =	sst s10  }
0x38: {  	s10 =	sld [smem:$0x3FBB]  }
0x39: {  	_ = 	snop;
	(pc) =	sbr.ind lr, $3  }
0x3a: {  	_ = 	snop  }
0x3b: {  	_ = 	snop  }
0x3c: {  	p2 =	seq.s32 s10, $0x1;
	s10 =	sld [smem:$0x3FBA]  }
0x3d: {  	_ =	shalt  }
0x3e: {  	_ =	shalt  }
0x3f: {  	_ =	shalt  }
0x40: {  	_ =	shalt  }
0x41: {  	_ =	shalt  }
0x42: {  	_ =	shalt  }
0x43: {  	_ =	shalt  }
0x44: {  	_ =	shalt  }
0x45: {  	_ =	shalt  }
0x46: {  	_ =	shalt  }
0x47: {  	_ =	shalt  }
0x48: {  	_ =	shalt  }
0x49: {  	_ =	shalt  }
0x4a: {  	_ =	shalt  }
0x4b: {  	_ =	shalt  }
0x4c: {  	_ =	shalt  }
0x4d: {  	_ =	shalt  }
0x4e: {  	_ =	shalt  }
0x4f: {  	_ =	shalt  }
0x50: {  	_ =	shalt  }
0x51: {  	_ =	shalt  }
0x52: {  	_ =	shalt  }
0x53: {  	_ =	shalt  }
0x54: {  	_ =	shalt  }
0x55: {  	_ =	shalt  }
0x56: {  	_ =	shalt  }
0x57: {  	_ =	shalt  }
0x58: {  	_ =	shalt  }
0x59: {  	_ =	shalt  }
0x5a: {  	_ =	shalt  }
0x5b: {  	_ =	shalt  }
0x5c: {  	_ =	shalt  }
0x5d: {  	_ =	shalt  }
0x5e: {  	_ =	shalt  }
0x5f: {  	_ =	shalt  }
0x60: {  	_ =	shalt  }
0x61: {  	_ =	shalt  }
0x62: {  	_ =	shalt  }
0x63: {  	_ =	shalt  }
0x64: {  	_ =	shalt  }
0x65: {  	_ =	shalt  }
0x66: {  	_ =	shalt  }
0x67: {  	_ =	shalt  }
0x68: {  	_ =	shalt  }
0x69: {  	_ =	shalt  }
0x6a: {  	_ =	shalt  }
0x6b: {  	_ =	shalt  }
0x6c: {  	_ =	shalt  }
0x6d: {  	_ =	shalt  }
0x6e: {  	_ =	shalt  }
0x6f: {  	_ =	shalt  }
0x70: {  	_ =	shalt  }
0x71: {  	_ =	shalt  }
0x72: {  	_ =	shalt  }
0x73: {  	_ =	shalt  }
0x74: {  	_ =	shalt  }
0x75: {  	_ =	shalt  }
0x76: {  	_ =	shalt  }
0x77: {  	_ =	shalt  }
0x78: {  	_ =	shalt  }
0x79: {  	_ =	shalt  }
0x7a: {  	_ =	shalt  }
0x7b: {  	_ =	shalt  }
0x7c: {  	_ =	shalt  }
0x7d: {  	_ =	shalt  }
0x7e: {  	_ =	shalt  }
0x7f: {  	_ =	shalt  }
0x80: {  	_ =	shalt  }
0x81: {  	_ =	shalt  }
0x82: {  	_ =	shalt  }
0x83: {  	_ =	shalt  }
0x84: {  	_ =	shalt  }
0x85: {  	_ =	shalt  }
0x86: {  	_ =	shalt  }
0x87: {  	_ =	shalt  }
.Lfunc_end0:
.L_simem_size_0:
called_computation_lowered:
.L_overlay_start_0:
0x88: {  	s2 =	sld [smem:$0x3FD9]  }
0x89: {  	s3 =	sld [smem:$0x3FFE];
	_ =	sdelay $0x1  }
0x8a: {  	s1 =	srdreg.scid  }
0x8b: {  	s0 =	sand.u32 $0x1, s1  }
0x8c: {  	s17 =	sshll.u32 s0, $0xA;
	s2 =	sadd.s32 s3, s2  }
0x8d: {  	s2 =	sadd.s32 s2, s17  }
0x8e: {  	[smem:$0x3FC6] =	sst s2  }
0x8f: {  	_ = 	snop  }
0x90: {  	s2 =	sld [smem:$0x3FC9]  }
0x91: {  	s18 =	sld [smem:$0x3FC8];
	(tm) =	ssettm $0x1  }
0x92: {  	s4 =	sld [smem:$0x3FFB];
	_ =	sdelay $0x3  }
0x93: {  	_ =	strace s4  }
0x94: {  	s4 =	sld [smem:$0x3FFC];
	_ =	sdelay $0x3  }
0x95: {  	_ =	strace s4  }
0x96: {  	s4 =	sld [smem:$0x3FFD];
	_ =	sdelay $0x3  }
0x97: {  	_ =	strace s4  }
0x98: {  	_ =	strace $0x8FFFFFFF  }
0x99: {  	s19 =	sld [smem:$0x3FDB];
	_ =	sdelay $0x1  }
0x9a: {  	s5 =	simm.s32 $_scs_section_size  }
0x9b: {  	s6 =	simm.s32 $_size__tile_overlayer_lowered;
	s7 =	simm.s32 $_tile_overlayer_lowered  }
0x9c: {  	s22 =	simm.s32 $0x1BFF;
	s21 =	sshll.u32 s7, $0x1;
	s4 =	sadd.s32 s5, s19  }
0x9d: {  	s8 =	simm.s32 $0x0;
	s20 =	sshll.u32 s6, $0x1;
	s6 =	sadd.s32 s21, s4  }
0x9e: {  	[timem:s8], [sflag:s22] =	dma.local [hbm:s6], s20  }
0x9f: {  	_ =	swait.ge [sflag:s22], s20  }
0xa0: {  	s5 =	ssub.s32 $0x0, s20;
	[sflag:s22] =	ssyncset.done $0x0  }
0xa1: {  	[sflag:s22] =	ssyncadd.s32 s5;
	_ =	sdelay $0x1  }
0xa2: {  	s23 =	simm.s32 $0x1B8B  }
0xa3: {  	_ =	swait.ge [sflag:s23], $0x1  }
0xa4: {  	[sflag:s23] =	ssyncset.done $0x0  }
0xa5: {  	s25 =	simm.s32 $0x1B8E;
	s24 =	sld [smem:$0x3FFE];
	[sflag:s23] =	ssyncadd.s32 $0xFFFFFFFF  }
0xa6: {  	s26 =	simm.s32 $execute0_lowered;
	[smem:$0x3FD2] =	sst s25  }
0xa7: {  	s6 =	sshll.u32 s26, $0x1;
	_ =	strace $0x80000046;
	[dreg:$0x1] =	wrdreg $0xFFFFFFFF  }
0xa8: {  	s28 =	simm.s32 $_size_execute0_lowered;
	s4 =	sadd.s32 s4, s6;
	[dreg:$0x0] =	wrdreg $0x0  }
0xa9: {  	s6 =	sshll.u32 s28, $0x1;
	[dreg:$0x2] =	wrdreg s4  }
0xaa: {  	[dreg:$0x3] =	wrdreg s6  }
0xab: {  	[dreg:$0x4] =	wrdreg $0xC0  }
0xac: {  	_ =	task [dreg:s8], $0x5FFFF  }
0xad: {  	[dreg:$0x1] =	wrdreg $0xFFFFFFFF  }
0xae: {  	[dreg:$0x0] =	wrdreg $0x60  }
0xaf: {  	[dreg:$0x2] =	wrdreg s2  }
0xb0: {  	[dreg:$0x3] =	wrdreg s18  }
0xb1: {  	[dreg:$0x4] =	wrdreg s24  }
0xb2: {  	[dreg:$0x5] =	wrdreg $0x9  }
0xb3: {  	_ =	task.clear_ibuf [dreg:s8], $0x6FFFF;
	_ =	strace $0x90000046  }
0xb4: {  	s29 =	simm.s32 $0x9;
	_ =	strace $0x8000004E  }
0xb5: {  	_ =	swait.ge [sflag:s29], $0x1  }
0xb6: {  	[sflag:s29] =	ssyncadd.s32 $0xFFFFFFFF  }
0xb7: {  	_ =	strace $0x9000004E  }
0xb8: {  	_ =	sfence  }
0xb9: {  	s30 =	sld [smem:$0x0];
	_ =	sdelay $0x2  }
0xba: {  	s31 =	sshll.u32 s1, $0xD;
	s1 =	sshrl.u32 s1, $0x2  }
0xbb: {  	s3 =	sand.u32 $0x4000, s31;
	s1 =	sadd.s32 s1, s30  }
0xbc: {  	s0 =	sor.u32 s3, s0;
	s1 =	sshll.u32 s1, $0x11  }
0xbd: {  	s0 =	sor.u32 s1, s0  }
0xbe: {  	s0 =	sadd.s32 $0x8F2B, s0  }
0xbf: {  	[sflag:s0] =	ssyncadd.remote.s32 $0x1  }
0xc0: {  	_ =	sfence.sel $0xFFFF  }
0xc1: {  	[dreg:$0x0] =	wrdreg $0xFFFFFFFF;
	(pc) =	sbr.abs _section_cstart, $3  }
0xc2: {  	[dreg:$0x1] =	wrdreg $0xFFFFFFFF  }
0xc3: {  	_ =	task.clear_ibuf [dreg:s8], $0x2FFFF;
	_ =	strace $0x9FFFFFFF  }
0xc4: {  	(tm) =	ssettm $0x7FFFFFFF  }
0xc5: {  	_ =	shalt  }
tec
execute0_lowered:
.L_overlay_start_1:
0x0: {  	(tag) =	ssettag $0x1  }
0x1: {  	s1 =	rddreg [dreg:$0x0]  }
0x2: {  	s3 =	rddreg [dreg:$0x1]  }
0x3: {  	s5 =	rddreg [dreg:$0x2]  }
0x4: {  	s0 =	rddreg [dreg:$0x3]  }
0x5: {  	s4 =	simm.s32 $0x0;
	s2 =	stileid.u32;
	s6 =	srdreg.scid  }
0x6: {  	s12 =	simm.s32 $0x1;
	s13 =	simm.s32 $0x0;
	s6 =	sand.u32 $0x1, s6  }
0x7: {  	[smem:$0x7FF] =	sst s4;
	s7 =	sshll.u32 s2, $0x4;
	s8 =	sshll.u32 s6, $0x4  }
0x8: {  	_ =	strace $0x80000047;
	s28 =	ssub.s32 $0x2, s6;
	s29 =	sor.u32 s2, s8  }
0x9: {  	s7 =	sand.u32 $0x70, s7;
	s30 =	sshrl.u32 s28, $0x1;
	s8 =	smul.u32 $0x1800, s29  }
0xa: {  	s9 =	sadd.s32 s7, s5;
	s10 =	sshll.u32 s29, $0x4;
	s11 =	ssub.s32 s28, s30  }
0xb: {  	s5 =	smul.u32 $0x3, s29;
	s10 =	sand.u32 $0x180, s10;
	s6 =	sadd.s32 s1, s8  }
0xc: {  	s7 =	sadd.s32 s3, s8;
	s31 =	sadd.s32 s10, s9;
	s9 =	smax.u32 s11, $0x1  }
0xd: {  	v0 =	vimm.f32 $0.0e+00;
	s10 =	simm.s32 $0x80;
	s11 =	simm.s32 $0x8080;
	s8 =	sadd.s32 $0x200, s31  }
.LBB2_1:
0xe: {  	[tilespmem:$0x0] =	vst v0  }
0xf: {  	s14 =	simm.s32 $0x0;
	_ =	strace $0x80000048  }
0x10: {  	[tilespmem:s10], [sflag:$0x1] =	stream.linear.gather [hbm4b:s6+s4], $0x4000, $0x200038;
	[tilespmem:$0x10080] =	vst v63  }
0x11: {  	s15 =	simm.s32 $0x0;
	s16 =	simm.s32 $0x1;
	s17 =	simm.s32 $0x0  }
0x12: {  	[tilespmem:s11], [sflag:$0x3] =	stream.linear.gather [hbm4b:s7+s4], $0x4000, $0x200038;
	[tilespmem:$0x10080] =	vst v63  }
0x13: {  	s20 =	simm.s32 $0x1;
	s18 =	simm.s32 $0x0;
	_ =	strace $0x90000048  }
.LBB2_2:
0x14: {  	s19 =	sadd.s32 s5, s14  }
0x15: {  	s21 =	sadd.s32 $0xFFFFFFFF, s14;
	p3 =	seq.s32 s14, $0x0;
	s14 =	sadd.s32 $0x1, s14  }
0x16: {  	p0 =	seq.s32 s14, $0x3  }
0x17: {  	s14 =	simm.s32 @p0 $0x0  }
0x18: {  	s23 =	sshra.s32 s19, $0x1F;
	s22 =	sadd.s32 s5, s14  }
0x19: {  	s23 =	sshrl.u32 s23, $0x1C;
	s24 =	sshra.s32 s22, $0x1F  }
0x1a: {  	s23 =	sadd.s32 s23, s19;
	s24 =	sshrl.u32 s24, $0x1C  }
0x1b: {  	s25 =	sshra.s32 s23, $0x4;
	s23 =	sand.u32 $0xFFFFFFF0, s23;
	s24 =	sadd.s32 s24, s22  }
0x1c: {  	p5 =	slt.s32 s19, $0x1;
	p1 =	sne.s32 s19, s23;
	s26 =	sand.u32 $0xFFFFFFF0, s24  }
0x1d: {  	p6 =	slt.s32 s22, $0x1;
	p0 =	por !p5, !p1;
	p2 =	sne.s32 s22, s26  }
0x1e: {  	s23 =	simm.s32 $0x1;
	p0 =	por !p0, !p0;
	p1 =	por !p6, !p2  }
0x1f: {  	s23 =	simm.s32 @!p0 $0x0;
	s26 =	simm.s32 $0x1;
	p0 =	por !p1, !p1  }
0x20: {  	s19 =	sand.u32 $0xF, s19;
	s24 =	sshra.s32 s24, $0x4;
	s26 =	simm.s32 @!p0 $0x0  }
0x21: {  	s22 =	sand.u32 $0xF, s22;
	s23 =	ssub.s32 s25, s23;
	s24 =	ssub.s32 s24, s26  }
0x22: {  	p5 =	sne.s32 s19, s22;
	p4 =	sne.s32 s23, s24  }
0x23: {  	p1 =	seq.s32 s18, $0x2;
	p0 =	por p5, p4  }
0x24: {  	p2 =	por !p0, p1  }
0x25: {  	s21 =	simm.s32 @p3 $0x2;
	s24 =	sshll.u32 @!p2 s24, $0x12;
	s22 =	sshll.u32 @!p2 s22, $0xE  }
0x26: {  	s25 =	sand.u32 @!p2 $0x1, s20;
	_ =	strace @!p2 $0x80000049;
	s22 =	sor.u32 @!p2 s22, s24  }
0x27: {  	s28 =	simm.s32 @!p2 $0x0;
	s24 =	sshll.u32 @!p2 s25, $0xE;
	s22 =	sshrl.u32 @!p2 s22, $0x3  }
0x28: {  	s25 =	sadd.s32 @!p2 $0x1, s25;
	s24 =	sor.u32 @!p2 $0x80, s24;
	s26 =	sadd.s32 @!p2 s1, s22  }
0x29: {  	[tilespmem:s24], [sflag:s25] =	stream.linear.gather @!p2 [hbm4b:s26+s28], $0x4000, $0x200038;
	[tilespmem:$0x10080] =	vst v63  }
0x2a: {  	s21 =	sadd.s32 s5, s21;
	s24 =	sand.u32 @!p2 $0x1, s16  }
0x2b: {  	s22 =	sadd.s32 @!p2 s3, s22;
	_ =	strace @!p2 $0x90000049;
	s25 =	sshll.u32 @!p2 s24, $0xE  }
0x2c: {  	s24 =	sadd.s32 @!p2 $0x3, s24;
	_ =	strace @!p2 $0x8000004A;
	s25 =	sor.u32 @!p2 $0x8080, s25  }
0x2d: {  	[tilespmem:s25], [sflag:s24] =	stream.linear.gather @!p2 [hbm4b:s22+s28], $0x4000, $0x200038;
	[tilespmem:$0x10080] =	vst v63  }
0x2e: {  	s28 =	sshra.s32 s21, $0x1F  }
0x2f: {  	s22 =	sshrl.u32 s28, $0x1C  }
0x30: {  	s22 =	sadd.s32 s22, s21  }
0x31: {  	s29 =	sand.u32 $0xFFFFFFF0, s22  }
0x32: {  	p6 =	slt.s32 s21, $0x1;
	p4 =	sne.s32 s21, s29  }
0x33: {  	p5 =	seq.s32 s18, $0x0;
	p3 =	por !p6, !p4  }
0x34: {  	s24 =	simm.s32 $0x1;
	s21 =	sand.u32 $0xF, s21;
	p3 =	por !p3, !p3  }
0x35: {  	s22 =	sshra.s32 s22, $0x4;
	s24 =	simm.s32 @!p3 $0x0;
	p3 =	sne.s32 @!p5 s19, s21  }
0x36: {  	s19 =	ssub.s32 s22, s24;
	p3 =	por p5, p3  }
0x37: {  	p4 =	seq.s32 @!p3 s23, s19  }
0x38: {  	p3 =	por p3, !p4  }
0x39: {  	_ =	strace @!p2 $0x9000004A;
	s19 =	sand.u32 @p3 $0x1, s17  }
0x3a: {  	_ =	strace @p3 $0x8000004B;
	s19 =	sadd.s32 @p3 $0x1, s19  }
0x3b: {  	_ =	swait.ge @p3 [sflag:s19], $0x4000  }
0x3c: {  	[sflag:s19] =	ssyncset.done @p3 $0x0  }
0x3d: {  	[sflag:s19] =	ssyncadd.s32 @p3 $0xFFFFC000  }
0x3e: {  	s31 =	sshll.u32 s15, $0xE;
	s19 =	sand.u32 @p3 $0x1, s15;
	_ =	strace @p3 $0x9000004B  }
0x3f: {  	s21 =	sand.u32 $0x4000, s31;
	s19 =	sadd.s32 @p3 $0x3, s19;
	_ =	strace @p3 $0x8000004C  }
0x40: {  	s21 =	sor.u32 $0x8080, s21;
	_ =	swait.ge @p3 [sflag:s19], $0x4000  }
0x41: {  	s30 =	sshll.u32 s17, $0xE;
	v1 =	vmov s21;
	[sflag:s19] =	ssyncset.done @p3 $0x0  }
0x42: {  	s22 =	simm.s32 $0x0;
	[sflag:s19] =	ssyncadd.s32 @p3 $0xFFFFC000;
	s19 =	sand.u32 $0x4000, s30  }
0x43: {  	s23 =	sand.u32 $0x3C00, s22;
	s21 =	sand.u32 $0x380, s22;
	s19 =	sor.u32 $0x80, s19  }
0x44: {  	s23 =	sor.u32 s21, s23;
	_ =	strace @p3 $0x9000004C;
	v2 =	vmov s19  }
0x45: {  	_ =	strace $0x8000004D;
	s19 =	sor.u32 $0x70, s23  }
0x46: {  	s21 =	sor.u32 $0x10, s23;
	v5 =	vld.idx.msk [tilespmem:v1+s19+$0x0 ss:$0x1], $0xffff  }
0x47: {  	s24 =	sor.u32 $0x20, s23;
	v9 =	vld.idx.msk [tilespmem:v1+s21+$0x0 ss:$0x1], $0xffff  }
0x48: {  	v11 =	vld.idx.msk [tilespmem:v1+s24+$0x0 ss:$0x1], $0xffff  }
0x49: {  	v4 =	vld.idx.msk [tilespmem:v2+s23+$0x0 ss:$0x1], $0xffff  }
0x4a: {  	v3 =	vld.idx.msk [tilespmem:v2+s19+$0x0 ss:$0x1], $0xffff  }
0x4b: {  	v7 =	vld.idx.msk [tilespmem:v2+s21+$0x0 ss:$0x1], $0xffff  }
0x4c: {  	s25 =	sor.u32 $0x30, s23;
	v10 =	vld.idx.msk [tilespmem:v2+s24+$0x0 ss:$0x1], $0xffff  }
0x4d: {  	s26 =	sor.u32 $0x40, s23;
	v12 =	vld.idx.msk [tilespmem:v2+s25+$0x0 ss:$0x1], $0xffff  }
0x4e: {  	v13 =	vld.idx.msk [tilespmem:v2+s26+$0x0 ss:$0x1], $0xffff  }
0x4f: {  	v8 =	vimm.f32 $0.0e+00;
	vm0 =	vlt.f32 v5, $0.0e+00  }
0x50: {  	v18 =	vld.idx.msk [tilespmem:v1+s25+$0x0 ss:$0x1], $0xffff;
	vm1 =	vgt.f32 v5, $0.0e+00;
	vm2 =	vgt.f32 v9, $0.0e+00;
	v6 =	vmul.f32 $-2.000000000e+00, v4  }
0x51: {  	v14 =	vmul.f32 $-2.000000000e+00, v3;
	v15 =	vmul.f32 $-2.000000000e+00, v7;
	v3 =	vnsel vm0, $0x0, v3  }
0x52: {  	vm0 =	vlt.f32 v9, $0.0e+00;
	v9 =	vmul.f32 $-2.000000000e+00, v10;
	v20 =	vmul.f32 $-2.000000000e+00, v12  }
0x53: {  	s28 =	sor.u32 $0x50, s23;
	v16 =	vld.idx.msk [tilespmem:v1+s26+$0x0 ss:$0x1], $0xffff;
	v21 =	vmul.f32 $-2.000000000e+00, v13;
	v5 =	vnsel vm0, $0x0, v7;
	vm0 =	vlt.f32 v11, $0.0e+00  }
0x54: {  	s29 =	sor.u32 $0x60, s23;
	s30 =	simm.s32 $0x8;
	v17 =	vld.idx.msk [tilespmem:v1+s28+$0x0 ss:$0x1], $0xffff;
	v3 =	vsel vm1, v14, v3;
	v5 =	vsel vm2, v15, v5;
	vm1 =	vgt.f32 v11, $0.0e+00  }
0x55: {  	s19 =	sadd.s32 @!p2 $0x1, s20;
	s24 =	simm.s32 @!p2 $0x1;
	s21 =	simm.s32 $0x400;
	v14 =	vld.idx.msk [tilespmem:v2+s28+$0x0 ss:$0x1], $0xffff;
	v10 =	vnsel vm0, $0x0, v10;
	vm0 =	vgt.f32 v18, $0.0e+00;
	v11 =	vimm.f32 $0.0e+00  }
0x56: {  	v19 =	vld.idx.msk [tilespmem:v1+s23+$0x0 ss:$0x1], $0xffff;
	s19 =	smov.u32 @p2 s20;
	s24 =	simm.s32 @p2 $0x0;
	s31 =	sand.u32 $0x3C00, s21;
	v3 =	vadd.f32 v3, v8;
	v7 =	vadd.f32 v5, v8;
	v5 =	vsel vm1, v9, v10  }
0x57: {  	s19 =	smov.u32 @p1 s20;
	s24 =	simm.s32 @p1 $0x0;
	s20 =	sand.u32 $0x380, s30;
	v15 =	vld.idx.msk [tilespmem:v2+s29+$0x0 ss:$0x1], $0xffff;
	vm1 =	vlt.f32 v18, $0.0e+00;
	v10 =	vimm.f32 $0.0e+00;
	v9 =	vimm.f32 $0.0e+00  }
0x58: {  	s22 =	simm.s32 $0x10;
	s16 =	sadd.s32 s16, s24;
	s20 =	sor.u32 s20, s31;
	v18 =	vld.idx.msk [tilespmem:v1+s29+$0x0 ss:$0x1], $0xffff;
	v5 =	vadd.f32 v5, v8;
	v22 =	vnsel vm1, $0x0, v12;
	v12 =	vimm.f32 $0.0e+00  }
.LBB2_3:
0x59: {  	p2 =	sne.s32 s22, $0x3F8;
	v23 =	vld.idx.msk [tilespmem:v2+s20+$0x0 ss:$0x1], $0xffff;
	s24 =	sor.u32 $0x10, s20;
	s25 =	sor.u32 $0x70, s20;
	v20 =	vsel vm0, v20, v22;
	vm0 =	vgt.f32 v16, $0.0e+00;
	vm1 =	vlt.f32 v16, $0.0e+00  }
0x5a: {  	s26 =	sor.u32 $0x20, s20;
	s28 =	sor.u32 $0x30, s20;
	s29 =	sor.u32 $0x40, s20;
	v16 =	vld.idx.msk [tilespmem:v2+s25+$0x0 ss:$0x1], $0xffff;
	v8 =	vadd.f32 v20, v8;
	v13 =	vnsel vm1, $0x0, v13;
	v20 =	vmul.f32 $-2.000000000e+00, v14  }
0x5b: {  	s30 =	sor.u32 $0x50, s20;
	s23 =	sor.u32 $0x60, s20;
	vm1 =	vlt.f32 v17, $0.0e+00;
	v22 =	vld.idx.msk [tilespmem:v1+s25+$0x0 ss:$0x1], $0xffff;
	v13 =	vsel vm0, v21, v13;
	vm0 =	vgt.f32 v17, $0.0e+00  }
0x5c: {  	v17 =	vld.idx.msk [tilespmem:v2+s24+$0x0 ss:$0x1], $0xffff;
	v12 =	vadd.f32 v13, v12;
	v13 =	vnsel vm1, $0x0, v14;
	v14 =	vmul.f32 $-2.000000000e+00, v15  }
0x5d: {  	vm1 =	vlt.f32 v18, $0.0e+00;
	v21 =	vld.idx.msk [tilespmem:v1+s24+$0x0 ss:$0x1], $0xffff;
	v13 =	vsel vm0, v20, v13;
	vm0 =	vgt.f32 v18, $0.0e+00  }
0x5e: {  	vm2 =	vgt.f32 v19, $0.0e+00;
	vm3 =	vlt.f32 v19, $0.0e+00;
	v15 =	vnsel vm1, $0x0, v15;
	v18 =	vld.idx.msk [tilespmem:v2+s26+$0x0 ss:$0x1], $0xffff  }
0x5f: {  	v19 =	vmul.f32 $-2.000000000e+00, v23;
	v24 =	vnsel vm3, $0x0, v4;
	v14 =	vsel vm0, v14, v15;
	v4 =	vmovc v23;
	v20 =	vld.idx.msk [tilespmem:v1+s26+$0x0 ss:$0x1], $0xffff  }
0x60: {  	v10 =	vadd.f32 v13, v10;
	v15 =	vsel vm2, v6, v24;
	v11 =	vadd.f32 v14, v11;
	v23 =	vld.idx.msk [tilespmem:v2+s28+$0x0 ss:$0x1], $0xffff  }
0x61: {  	v14 =	vmul.f32 $-2.000000000e+00, v16;
	vm0 =	vlt.f32 v22, $0.0e+00;
	v9 =	vadd.f32 v15, v9;
	v6 =	vmovc v19;
	v24 =	vld.idx.msk [tilespmem:v1+s28+$0x0 ss:$0x1], $0xffff  }
0x62: {  	vm1 =	vgt.f32 v22, $0.0e+00;
	v15 =	vmul.f32 $-2.000000000e+00, v17;
	v19 =	vnsel vm0, $0x0, v16;
	v13 =	vld.idx.msk [tilespmem:v2+s29+$0x0 ss:$0x1], $0xffff  }
0x63: {  	vm0 =	vgt.f32 v21, $0.0e+00;
	vm2 =	vlt.f32 v21, $0.0e+00;
	v19 =	vsel vm1, v14, v19;
	v16 =	vld.idx.msk [tilespmem:v1+s29+$0x0 ss:$0x1], $0xffff  }
.Ltmp0:
0x64: {  	v17 =	vnsel vm2, $0x0, v17;
	v21 =	vmul.f32 $-2.000000000e+00, v18;
	v3 =	vadd.f32 v19, v3;
	v14 =	vld.idx.msk [tilespmem:v2+s30+$0x0 ss:$0x1], $0xffff;
	(pc) =	sbr.rel @p2 .LBB2_3-.Ltmp0, $4  }
0x65: {  	v15 =	vsel vm0, v15, v17;
	vm0 =	vgt.f32 v20, $0.0e+00;
	vm1 =	vlt.f32 v20, $0.0e+00;
	v17 =	vld.idx.msk [tilespmem:v1+s30+$0x0 ss:$0x1], $0xffff  }
0x66: {  	s21 =	sadd.s32 $0x400, s21;
	v7 =	vadd.f32 v15, v7;
	v18 =	vnsel vm1, $0x0, v18;
	v20 =	vmul.f32 $-2.000000000e+00, v23;
	v15 =	vld.idx.msk [tilespmem:v2+s23+$0x0 ss:$0x1], $0xffff  }
0x67: {  	s25 =	sand.u32 $0x380, s22;
	s24 =	sand.u32 $0x3C00, s21;
	v21 =	vsel vm0, v21, v18;
	vm0 =	vgt.f32 v24, $0.0e+00;
	vm1 =	vlt.f32 v24, $0.0e+00;
	v18 =	vld.idx.msk [tilespmem:v1+s23+$0x0 ss:$0x1], $0xffff  }
0x68: {  	s22 =	sadd.s32 $0x8, s22;
	v5 =	vadd.f32 v21, v5;
	v22 =	vnsel vm1, $0x0, v23;
	v21 =	vmul.f32 $-2.000000000e+00, v13;
	v19 =	vld.idx.msk [tilespmem:v1+s20+$0x0 ss:$0x1], $0xffff;
	s20 =	sor.u32 s25, s24  }
0x69: {  	_ =	sdelay $0x3  }
0x6a: {  	v23 =	vld.idx.msk [tilespmem:v2+s20+$0x0 ss:$0x1], $0xffff  }
0x6b: {  	s21 =	sor.u32 $0x70, s20;
	v37 =	vld.idx.msk [tilespmem:v1+s20+$0x0 ss:$0x1], $0xffff  }
0x6c: {  	v20 =	vsel vm0, v20, v22;
	vm7 =	vgt.f32 v16, $0.0e+00;
	vm1 =	vlt.f32 v16, $0.0e+00;
	s22 =	sor.u32 $0x10, s20;
	v27 =	vld.idx.msk [tilespmem:v2+s21+$0x0 ss:$0x1], $0xffff  }
0x6d: {  	v28 =	vmul.f32 $-2.000000000e+00, v14;
	v8 =	vadd.f32 v20, v8;
	v13 =	vnsel vm1, $0x0, v13;
	v29 =	vld.idx.msk [tilespmem:v2+s22+$0x0 ss:$0x1], $0xffff  }
0x6e: {  	s23 =	sor.u32 $0x20, s20;
	vm8 =	vgt.f32 v17, $0.0e+00;
	vm9 =	vlt.f32 v17, $0.0e+00;
	v32 =	vld.idx.msk [tilespmem:v1+s22+$0x0 ss:$0x1], $0xffff;
	v13 =	vsel vm7, v21, v13  }
0x6f: {  	v33 =	vld.idx.msk [tilespmem:v2+s23+$0x0 ss:$0x1], $0xffff;
	v30 =	vnsel vm9, $0x0, v14;
	v31 =	vmul.f32 $-2.000000000e+00, v15;
	v12 =	vadd.f32 v13, v12  }
0x70: {  	s28 =	sor.u32 $0x30, s20;
	v35 =	vld.idx.msk [tilespmem:v1+s23+$0x0 ss:$0x1], $0xffff;
	v13 =	vsel vm8, v28, v30;
	vm10 =	vgt.f32 v18, $0.0e+00;
	vm11 =	vlt.f32 v18, $0.0e+00  }
0x71: {  	v40 =	vld.idx.msk [tilespmem:v2+s28+$0x0 ss:$0x1], $0xffff;
	vm2 =	vgt.f32 v19, $0.0e+00;
	vm3 =	vlt.f32 v19, $0.0e+00;
	v34 =	vnsel vm11, $0x0, v15  }
0x72: {  	v43 =	vld.idx.msk [tilespmem:v1+s28+$0x0 ss:$0x1], $0xffff;
	v38 =	vadd.f32 v13, v10;
	v36 =	vmul.f32 $-2.000000000e+00, v23;
	v4 =	vnsel vm3, $0x0, v4  }
0x73: {  	s29 =	sor.u32 $0x40, s20;
	v14 =	vsel vm10, v31, v34;
	vm4 =	vlt.f32 v37, $0.0e+00;
	vm5 =	vgt.f32 v37, $0.0e+00  }
0x74: {  	v45 =	vld.idx.msk [tilespmem:v2+s29+$0x0 ss:$0x1], $0xffff;
	v4 =	vsel vm2, v6, v4;
	v39 =	vadd.f32 v14, v11;
	v41 =	vmul.f32 $-2.000000000e+00, v27  }
0x75: {  	v42 =	vmul.f32 $-2.000000000e+00, v29;
	vm12 =	vlt.f32 v32, $0.0e+00;
	vm13 =	vgt.f32 v32, $0.0e+00  }
0x76: {  	s30 =	sor.u32 $0x50, s20;
	v47 =	vld.idx.msk [tilespmem:v1+s29+$0x0 ss:$0x1], $0xffff;
	v46 =	vmul.f32 $-2.000000000e+00, v33;
	vm14 =	vgt.f32 v35, $0.0e+00;
	vm15 =	vlt.f32 v35, $0.0e+00  }
0x77: {  	v50 =	vld.idx.msk [tilespmem:v2+s30+$0x0 ss:$0x1], $0xffff;
	v49 =	vnsel vm4, $0x0, v23;
	v51 =	vmul.f32 $-2.000000000e+00, v40;
	vm6 =	vgt.f32 v43, $0.0e+00  }
0x78: {  	v52 =	vld.idx.msk [tilespmem:v1+s30+$0x0 ss:$0x1], $0xffff;
	vm7 =	vlt.f32 v43, $0.0e+00;
	v4 =	vadd.f32 v4, v9;
	v44 =	vnsel vm12, $0x0, v29  }
0x79: {  	s31 =	sor.u32 $0x60, s20;
	v54 =	vmul.f32 $-2.000000000e+00, v45;
	v15 =	vsel vm5, v36, v49;
	v9 =	vsel vm13, v42, v44  }
0x7a: {  	v2 =	vld.idx.msk [tilespmem:v2+s31+$0x0 ss:$0x1], $0xffff;
	v48 =	vnsel vm15, $0x0, v33;
	v7 =	vadd.f32 v9, v7;
	v4 =	vadd.f32 v15, v4  }
0x7b: {  	vm8 =	vlt.f32 v47, $0.0e+00;
	vm9 =	vgt.f32 v47, $0.0e+00;
	v9 =	vsel vm14, v46, v48  }
0x7c: {  	v55 =	vld.idx.msk [tilespmem:v1+s31+$0x0 ss:$0x1], $0xffff;
	v53 =	vnsel vm7, $0x0, v40;
	v5 =	vadd.f32 v9, v5;
	v4 =	vadd.f32 v7, v4  }
0x7d: {  	v58 =	vmul.f32 $-2.000000000e+00, v50;
	vm10 =	vgt.f32 v52, $0.0e+00;
	v9 =	vsel vm6, v51, v53  }
0x7e: {  	v1 =	vld.idx.msk [tilespmem:v1+s21+$0x0 ss:$0x1], $0xffff;
	v57 =	vnsel vm8, $0x0, v45;
	v56 =	vadd.f32 v9, v8;
	v4 =	vadd.f32 v5, v4  }
0x7f: {  	vm11 =	vlt.f32 v52, $0.0e+00;
	v61 =	vmul.f32 $-2.000000000e+00, v2;
	v8 =	vsel vm9, v54, v57  }
0x80: {  	v60 =	vnsel vm11, $0x0, v50;
	v59 =	vadd.f32 v8, v12;
	v4 =	vadd.f32 v56, v4  }
0x81: {  	vm12 =	vgt.f32 v55, $0.0e+00;
	v62 =	vsel vm10, v58, v60;
	vm13 =	vlt.f32 v55, $0.0e+00  }
0x82: {  	v2 =	vnsel vm13, $0x0, v2;
	v6 =	vadd.f32 v62, v38;
	v4 =	vadd.f32 v59, v4  }
0x83: {  	vm15 =	vgt.f32 v1, $0.0e+00;
	vm14 =	vlt.f32 v1, $0.0e+00;
	v1 =	vsel vm12, v61, v2  }
0x84: {  	v2 =	vnsel vm14, $0x0, v27;
	v1 =	vadd.f32 v1, v39;
	v4 =	vadd.f32 v6, v4  }
0x85: {  	v63 =	vld [tilespmem:$0x0];
	v2 =	vsel vm15, v41, v2  }
0x86: {  	v2 =	vadd.f32 v2, v3;
	v1 =	vadd.f32 v1, v4  }
0x87: {  	p0 =	por p1, p0;
	s20 =	simm.s32 $0x1;
	s18 =	sadd.s32 $0x1, s18  }
0x88: {  	s20 =	simm.s32 @!p0 $0x0;
	p0 =	sne.s32 s18, $0x3;
	v1 =	vadd.f32 v2, v1  }
.Ltmp1:
0x89: {  	_ = 	snop;
	(pc) =	sbr.rel @p0 .LBB2_2-.Ltmp1, $3  }
0x8a: {  	v1 =	vadd.f32 v63, v1;
	_ =	sdelay $0x1  }
0x8b: {  	s17 =	sadd.s32 s20, s17;
	[tilespmem:$0x0] =	vst v1  }
0x8c: {  	s15 =	sadd.s32 s20, s15;
	s20 =	smov.u32 s19;
	_ =	strace $0x9000004D  }
0x8d: {  	s13 =	sadd.s32 $0x1, s13  }
0x8e: {  	p0 =	sne.s32 s13, s9  }
.Ltmp2:
0x8f: {  	_ = 	snop;
	(pc) =	sbr.rel @p0 .LBB2_1-.Ltmp2, $4  }
0x90: {  	[hbm4b:s8+s4] =	stream.linear.scatter [tilespmem:s4], [sflag:$0x1], $0x80, $0x38;
	[tilespmem:$0x10080] =	vst v63  }
0x91: {  	_ =	swait.ge [sflag:s12], $0x80  }
0x92: {  	[sflag:s12] =	ssyncset.done $0x0  }
0x93: {  	[sflag:s12] =	ssyncadd.s32 $0xFFFFFF80  }
0x94: {  	_ =	sfence.sel $0x180000  }
0x95: {  	[bflag:$0x0] =	sbarrier.arrive $0xFFFF  }
0x96: {  	p0 =	sne.s32 s2, $0x0;
	_ =	strace $0x90000047  }
0x97: {  	s0 =	sadd.s32 @!p0 $0x100000, s0;
	[bflag:$0x2] =	sbarrier.arrive $0xFFFF  }
0x98: {  	[sflag:s0] =	ssyncadd.tile.s32 @!p0 $0x1;
	_ =	shalt  }
.Lfunc_end2:
_tile_overlayer_lowered:
.L_overlay_start_2:
0x99: {  	(tag) =	ssettag $0x2  }
0x9a: {  	s0 =	rddreg [dreg:$0x0];
	s2 =	stileid.u32  }
0x9b: {  	s1 =	rddreg [dreg:$0x1];
	p0 =	sne.s32 s2, $0x0  }
0x9c: {  	s3 =	rddreg [dreg:$0x2];
	[bflag:$0x3] =	sbarrier.arrive $0xFFFF;
	s2 =	simm.s32 @!p0 $0x1C01  }
0x9d: {  	[timem:s3], [sflag:s2] =	dma.local @!p0 [hbm:s0], s1  }
0x9e: {  	s0 =	simm.s32 @!p0 $0x1  }
0x9f: {  	_ =	swait.ge @!p0 [sflag:s0], s1  }
0xa0: {  	s1 =	ssub.s32 @!p0 $0x0, s1;
	[sflag:s0] =	ssyncset.done @!p0 $0x0  }
0xa1: {  	[sflag:s0] =	ssyncadd.s32 @!p0 s1  }
0xa2: {  	[bflag:$0x3] =	sbarrier.arrive $0xFFFF  }
0xa3: {  	_ =	shalt  }

</sc_bundles>
